<compile_context>
chip_gen: v7x
topology: tpu7x:2x2x1
jax: 0.10.2.dev20260603
libtpu: 0.0.44.dev20260713+nightly
codegen_flags: <defaults>
</compile_context>

<pallas_src>
import functools

import jax
import jax.numpy as jnp
from jax import lax
from jax.experimental import pallas as pl
from jax.experimental.pallas import tpu as pltpu
from jax.experimental.pallas import tpu_sc as plsc

_VOCAB = 1000000
_DIM = 64
_NEG = 5
_B = 16384
_CTX = 20
_TN = _NEG + 1

_NC, _NS, _L = 2, 16, 16
_NW = _NC * _NS
_BPW = _B // _NW
_CB = 64
_NCHUNK = _BPW // _CB
_CTX_IDX_ROWS = _CB * _CTX // 128
_TN_IDX_ROWS = _CB * _TN // 128
_NVR = _DIM // _L


def _make_sc_pool():
    mesh = plsc.VectorSubcoreMesh(core_axis_name="c", subcore_axis_name="s")

    @functools.partial(
        pl.kernel,
        mesh=mesh,
        compiler_params=pltpu.CompilerParams(use_tc_tiling_on_sc=False),
        out_type=jax.ShapeDtypeStruct((_B, _DIM), jnp.float32),
        scratch_types=[
            pltpu.VMEM((_CTX_IDX_ROWS, 128), jnp.int32),
            pltpu.VMEM((_CB * _CTX, _DIM), jnp.float32),
            pltpu.VMEM((_CB, _DIM), jnp.float32),
            pltpu.SemaphoreType.DMA,
        ],
    )
    def sc_pool(ctx_idx_hbm, cemb_hbm, out_hbm, ctx_idx_v, crows_v, pool_v,
                sem):
        wid = lax.axis_index("s") * _NC + lax.axis_index("c")

        def chunk_body(g, carry):
            cbase = wid * _BPW + g * _CB
            gchunk = wid * _NCHUNK + g
            pltpu.sync_copy(ctx_idx_hbm.at[gchunk], ctx_idx_v)
            copies = []
            for j in range(_CTX_IDX_ROWS):
                copies.append(pltpu.async_copy(
                    cemb_hbm.at[ctx_idx_v.at[j]],
                    crows_v.at[pl.ds(j * 128, 128)], sem))
            for c in copies:
                c.wait()

            def b_body(b, carry2):
                rb = b * _CTX
                scale = jnp.float32(1.0 / _CTX)
                for j in range(_NVR):
                    s = crows_v[rb, pl.ds(_L * j, _L)]
                    for c in range(1, _CTX):
                        s = s + crows_v[rb + c, pl.ds(_L * j, _L)]
                    pool_v[b, pl.ds(_L * j, _L)] = s * scale
                return carry2

            lax.fori_loop(0, _CB, b_body, 0)
            pltpu.sync_copy(pool_v, out_hbm.at[pl.ds(cbase, _CB)])
            return carry

        lax.fori_loop(0, _NCHUNK, chunk_body, 0)

    return sc_pool


def _make_sc_dots():
    mesh = plsc.VectorSubcoreMesh(core_axis_name="c", subcore_axis_name="s")

    @functools.partial(
        pl.kernel,
        mesh=mesh,
        compiler_params=pltpu.CompilerParams(use_tc_tiling_on_sc=False),
        out_type=jax.ShapeDtypeStruct((_B, _TN * _L), jnp.float32),
        scratch_types=[
            pltpu.VMEM((_TN_IDX_ROWS, 128), jnp.int32),
            pltpu.VMEM((_CB * _TN, _DIM), jnp.float32),
            pltpu.VMEM((_CB, _DIM), jnp.float32),
            pltpu.VMEM((_CB, _TN * _L), jnp.float32),
            pltpu.SemaphoreType.DMA,
        ],
    )
    def sc_dots(tn_idx_hbm, emb_hbm, pooled_hbm, out_hbm, tn_idx_v, trows_v,
                pool_v, out_v, sem):
        wid = lax.axis_index("s") * _NC + lax.axis_index("c")

        def chunk_body(g, carry):
            cbase = wid * _BPW + g * _CB
            gchunk = wid * _NCHUNK + g
            pltpu.sync_copy(tn_idx_hbm.at[gchunk], tn_idx_v)
            copies = [pltpu.async_copy(pooled_hbm.at[pl.ds(cbase, _CB)],
                                       pool_v, sem)]
            for j in range(_TN_IDX_ROWS):
                copies.append(pltpu.async_copy(
                    emb_hbm.at[tn_idx_v.at[j]],
                    trows_v.at[pl.ds(j * 128, 128)], sem))
            for c in copies:
                c.wait()

            def b_body(b, carry2):
                tb = b * _TN
                cs = [pool_v[b, pl.ds(_L * j, _L)] for j in range(_NVR)]
                for t in range(_TN):
                    p = cs[0] * trows_v[tb + t, pl.ds(0, _L)]
                    for j in range(1, _NVR):
                        p = p + cs[j] * trows_v[tb + t, pl.ds(_L * j, _L)]
                    out_v[b, pl.ds(_L * t, _L)] = p
                return carry2

            lax.fori_loop(0, _CB, b_body, 0)
            pltpu.sync_copy(out_v, out_hbm.at[pl.ds(cbase, _CB)])
            return carry

        lax.fori_loop(0, _NCHUNK, chunk_body, 0)

    return sc_dots


_RL_C = 16384
_RL_H = _RL_C // 2
_RL_GRID = (_VOCAB + _RL_C - 1) // _RL_C
_VP = _RL_GRID * _RL_C


def _tc_relayout_body(in_ref, out_ref):
    x = in_ref[...]
    eye = (lax.broadcasted_iota(jnp.int32, (_DIM, _DIM), 0)
           == lax.broadcasted_iota(jnp.int32, (_DIM, _DIM), 1)
           ).astype(jnp.float32)
    t = lax.dot_general(x, eye, (((0,), (0,)), ((), ())),
                        preferred_element_type=jnp.float32)
    out_ref[...] = jnp.concatenate([t[:_RL_H], t[_RL_H:]], axis=1)


def _tc_relayout(table):
    return pl.pallas_call(
        _tc_relayout_body,
        grid=(_RL_GRID,),
        in_specs=[pl.BlockSpec((_DIM, _RL_C), lambda i: (0, i))],
        out_specs=pl.BlockSpec((_RL_H, 2 * _DIM), lambda i: (i, 0)),
        out_shape=jax.ShapeDtypeStruct((_VP // 2, 2 * _DIM), jnp.float32),
    )(table.T)


def _remap(idx):
    l = idx % _RL_C
    return idx + l + jnp.where(l < _RL_H, 0, 1 - _RL_C)


_TC_BB = 2048


def _tc_loss_body(d_ref, out_ref):
    @pl.when(pl.program_id(0) == 0)
    def _init():
        out_ref[0, 0] = jnp.float32(0.0)

    x = d_ref[...]
    total = jnp.float32(0.0)
    for t in range(_TN):
        s = jnp.sum(x[:, _L * t:_L * (t + 1)], axis=1)
        ls = jnp.minimum(s, 0.0) - jnp.log(1.0 + jnp.exp(-jnp.abs(s)))
        total = total + jnp.sum(ls)
    out_ref[0, 0] = out_ref[0, 0] + total


def _tc_total(partials):
    return pl.pallas_call(
        _tc_loss_body,
        grid=(_B // _TC_BB,),
        in_specs=[pl.BlockSpec((_TC_BB, _TN * _L), lambda i: (i, 0))],
        out_specs=pl.BlockSpec(memory_space=pltpu.SMEM),
        out_shape=jax.ShapeDtypeStruct((1, 1), jnp.float32),
    )(partials)


def kernel(context, target, embeddings, context_embeddings):
    noise = jax.random.randint(jax.random.key(1), (target.shape[0], _NEG), 0,
                               _VOCAB)
    tn = jnp.concatenate([target[:, None], noise.astype(jnp.int32)], axis=1)
    ctx3d = _remap(context).reshape(_B // _CB, _CTX_IDX_ROWS, 128)
    tn3d = _remap(tn).reshape(_B // _CB, _TN_IDX_ROWS, 128)
    cemb2 = _tc_relayout(context_embeddings).reshape(_VP, _DIM)
    pooled = _make_sc_pool()(ctx3d, cemb2)
    emb2 = _tc_relayout(embeddings).reshape(_VP, _DIM)
    partials = _make_sc_dots()(tn3d, emb2, pooled)
    total = _tc_total(partials)
    return -(total[0, 0] / jnp.float32(_B))

# --- scband reference (transcript-rebuilt; emitter-appended) ---
"""Pipeline reference for scband-cbow-21844203668117 (READ-ONLY COPY).

The authoritative reference and input builder live on the scoring server;
editing this copy changes nothing except your own understanding.
"""

import jax, jax.numpy as jnp
import numpy as np

VOCAB = 1000000
DIM = 64
NEG = 5
BATCH = 16384
CTX_LEN = 20


def setup_inputs(seed: int = 0) -> dict:
    key = jax.random.key(seed)
    k1, k2, k3, k4 = jax.random.split(key, 4)
    context = jax.random.randint(k1, (BATCH, CTX_LEN), 0, VOCAB, dtype=jnp.int64 if jax.config.jax_enable_x64 else jnp.int32).astype(jnp.int32)
    target = jax.random.randint(k2, (BATCH,), 0, VOCAB).astype(jnp.int32)
    init_range = 0.5 / DIM
    embeddings = jax.random.uniform(k3, (VOCAB, DIM), minval=-init_range, maxval=init_range, dtype=jnp.float32)
    context_embeddings = jax.random.uniform(k4, (VOCAB, DIM), minval=-init_range, maxval=init_range, dtype=jnp.float32)
    return {"context": context, "target": target, "embeddings": embeddings, "context_embeddings": context_embeddings}


def reference(context, target, embeddings, context_embeddings):
    # context_vec = self.context_embeddings(context).mean(dim=1)
    context_vec = jnp.take(context_embeddings, context, axis=0).mean(axis=1)  # [B, D]
    # target_vec = self.embeddings(target)
    target_vec = jnp.take(embeddings, target, axis=0)  # [B, D]
    # pos_score = sum(target_vec * context_vec, dim=1).sigmoid().log()
    pos_score = jnp.log(jax.nn.sigmoid(jnp.sum(target_vec * context_vec, axis=1)))  # [B]
    # noise = torch.randint(0, vocab_size, (B, negative_samples))
    noise = jax.random.randint(jax.random.key(1), (target.shape[0], NEG), 0, VOCAB)
    noise_vec = jnp.take(embeddings, noise, axis=0)  # [B, NEG, D]
    # neg_score = bmm(noise_vec, context_vec.unsqueeze(2)).squeeze().sigmoid().log().sum(1)
    neg_score = jnp.log(jax.nn.sigmoid(jnp.einsum('bnd,bd->bn', noise_vec, context_vec))).sum(axis=1)  # [B]
    return -(pos_score + neg_score).mean()

if __name__ == "__main__":
    import jax
    _d = setup_inputs()
    print(jax.jit(kernel)(*tuple(_d.values())))

</pallas_src>

<mosaic_0001>
#map = affine_map<(d0, d1) -> (0, 0, 0)>
#map1 = affine_map<(d0, d1) -> (0, 0)>
module attributes {stable_mosaic.version = 14 : i64} {
  func.func @sc_pool(%arg0: i32, %arg1: i32, %arg2: memref<256x10x128xi32, #tpu.memory_space<hbm>>, %arg3: memref<1015808x64xf32, #tpu.memory_space<hbm>>, %arg4: memref<16384x64xf32, #tpu.memory_space<hbm>>, %arg5: memref<10x128xi32, #tpu.memory_space<vmem>>, %arg6: memref<1280x64xf32, #tpu.memory_space<vmem>>, %arg7: memref<64x64xf32, #tpu.memory_space<vmem>>, %arg8: memref<!tpu.dma_semaphore, #tpu.memory_space<semaphore_mem>>) attributes {dimension_semantics = [#tpu.dimension_semantics<core_parallel>, #tpu.dimension_semantics<subcore_parallel>], iteration_bounds = array<i64: 2, 16>, scalar_prefetch = 0 : i64, scratch_operands = 4 : i64, tpu.core_type = #tpu.core_type<sc_vector_subcore>, window_params = [{transform_indices = #map}, {transform_indices = #map1}, {transform_indices = #map1}]} {
    %mul3A = arith.constant 2 : i32
    %mul3A_0 = arith.muli %arg1, %mul3A : i32
    %add3A = arith.addi %mul3A_0, %arg0 : i32
    %scan3A = arith.constant 0 : i32
    %scan3A_1 = arith.constant 0 : i32
    %scan3A_2 = arith.constant 8 : i32
    %scan3A_3 = arith.addi %scan3A_1, %scan3A_2 : i32
    %scan3A_4 = arith.constant 1 : i32
    scf.for %scan3A_6 = %scan3A_1 to %scan3A_3 step %scan3A_4  : i32 {
      %mul3A_7 = arith.constant 512 : i32
      %mul3A_8 = arith.muli %add3A, %mul3A_7 : i32
      %mul3A_9 = arith.constant 64 : i32
      %mul3A_10 = arith.muli %scan3A_6, %mul3A_9 : i32
      %add3A_11 = arith.addi %mul3A_8, %mul3A_10 : i32
      %mul3A_12 = arith.constant 8 : i32
      %mul3A_13 = arith.muli %add3A, %mul3A_12 : i32
      %add3A_14 = arith.addi %mul3A_13, %scan3A_6 : i32
      "tpu.region"() ({
        %run_scoped3A = tpu.sem_alloc : memref<!tpu.dma_semaphore, #tpu.memory_space<semaphore_mem>>
        %dma_start3A_219 = arith.constant 0 : i32
        %dma_start3A_220 = arith.constant 0 : i32
        %dma_start3A_221 = tpu.memref_slice %arg2[%add3A_14, %dma_start3A_219, %dma_start3A_220] : memref<256x10x128xi32, #tpu.memory_space<hbm>> -> memref<1x10x128xi32, #tpu.memory_space<hbm>>
        %dma_start3A_222 = tpu.memref_squeeze %dma_start3A_221 : memref<1x10x128xi32, #tpu.memory_space<hbm>> -> memref<10x128xi32, #tpu.memory_space<hbm>>
        %dma_start3A_223 = arith.constant 0 : i32
        %dma_start3A_224 = arith.constant 0 : i32
        %dma_start3A_225 = tpu.memref_slice %arg2[%add3A_14, %dma_start3A_223, %dma_start3A_224] : memref<256x10x128xi32, #tpu.memory_space<hbm>> -> memref<1x10x128xi32, #tpu.memory_space<hbm>>
        %dma_start3A_226 = tpu.memref_squeeze %dma_start3A_225 : memref<1x10x128xi32, #tpu.memory_space<hbm>> -> memref<10x128xi32, #tpu.memory_space<hbm>>
        tpu.enqueue_dma source(%dma_start3A_226 : memref<10x128xi32, #tpu.memory_space<hbm>>) target(%arg5 : memref<10x128xi32, #tpu.memory_space<vmem>>) target_semaphore(%run_scoped3A : memref<!tpu.dma_semaphore, #tpu.memory_space<semaphore_mem>>)
        %dma_wait3A_227 = arith.constant 0 : i32
        %dma_wait3A_228 = arith.constant 0 : i32
        %dma_wait3A_229 = tpu.memref_slice %arg2[%add3A_14, %dma_wait3A_227, %dma_wait3A_228] : memref<256x10x128xi32, #tpu.memory_space<hbm>> -> memref<1x10x128xi32, #tpu.memory_space<hbm>>
        %dma_wait3A_230 = tpu.memref_squeeze %dma_wait3A_229 : memref<1x10x128xi32, #tpu.memory_space<hbm>> -> memref<10x128xi32, #tpu.memory_space<hbm>>
        %dma_wait3A_231 = arith.constant 0 : i32
        %dma_wait3A_232 = arith.constant 0 : i32
        %dma_wait3A_233 = tpu.memref_slice %arg2[%add3A_14, %dma_wait3A_231, %dma_wait3A_232] : memref<256x10x128xi32, #tpu.memory_space<hbm>> -> memref<1x10x128xi32, #tpu.memory_space<hbm>>
        %dma_wait3A_234 = tpu.memref_squeeze %dma_wait3A_233 : memref<1x10x128xi32, #tpu.memory_space<hbm>> -> memref<10x128xi32, #tpu.memory_space<hbm>>
        tpu.wait_dma2 semaphore(%run_scoped3A : memref<!tpu.dma_semaphore, #tpu.memory_space<semaphore_mem>>) src(%dma_wait3A_234 : memref<10x128xi32, #tpu.memory_space<hbm>>) dst(%arg5 : memref<10x128xi32, #tpu.memory_space<vmem>>)
        tpu.yield
      }) : () -> ()
      %dma_start3A = arith.constant 0 : i32
      %dma_start3A_15 = arith.constant 0 : i32
      %dma_start3A_16 = arith.constant 0 : i32
      %dma_start3A_17 = tpu.memref_slice %arg6[%dma_start3A_15, %dma_start3A_16] : memref<1280x64xf32, #tpu.memory_space<vmem>> -> memref<128x64xf32, #tpu.memory_space<vmem>>
      %dma_start3A_18 = arith.constant 0 : i32
      %dma_start3A_19 = tpu.memref_slice %arg5[%dma_start3A, %dma_start3A_18] : memref<10x128xi32, #tpu.memory_space<vmem>> -> memref<1x128xi32, #tpu.memory_space<vmem>>
      %dma_start3A_20 = tpu.memref_squeeze %dma_start3A_19 : memref<1x128xi32, #tpu.memory_space<vmem>> -> memref<128xi32, #tpu.memory_space<vmem>>
      %dma_start3A_21 = arith.constant 0 : i32
      %dma_start3A_22 = arith.constant 0 : i32
      %dma_start3A_23 = tpu.memref_slice %arg3[%dma_start3A_21, %dma_start3A_22] : memref<1015808x64xf32, #tpu.memory_space<hbm>> -> memref<1015808x64xf32, #tpu.memory_space<hbm>>
      tpu.enqueue_indirect_dma source(%dma_start3A_23 : memref<1015808x64xf32, #tpu.memory_space<hbm>>) target(%dma_start3A_17 : memref<128x64xf32, #tpu.memory_space<vmem>>) offsets(%dma_start3A_20 : memref<128xi32, #tpu.memory_space<vmem>>) semaphore(%arg8 : memref<!tpu.dma_semaphore, #tpu.memory_space<semaphore_mem>>)
      %dma_start3A_24 = arith.constant 1 : i32
      %dma_start3A_25 = arith.constant 128 : i32
      %dma_start3A_26 = arith.constant 0 : i32
      %dma_start3A_27 = tpu.memref_slice %arg6[%dma_start3A_25, %dma_start3A_26] : memref<1280x64xf32, #tpu.memory_space<vmem>> -> memref<128x64xf32, #tpu.memory_space<vmem>>
      %dma_start3A_28 = arith.constant 0 : i32
      %dma_start3A_29 = tpu.memref_slice %arg5[%dma_start3A_24, %dma_start3A_28] : memref<10x128xi32, #tpu.memory_space<vmem>> -> memref<1x128xi32, #tpu.memory_space<vmem>>
      %dma_start3A_30 = tpu.memref_squeeze %dma_start3A_29 : memref<1x128xi32, #tpu.memory_space<vmem>> -> memref<128xi32, #tpu.memory_space<vmem>>
      %dma_start3A_31 = arith.constant 0 : i32
      %dma_start3A_32 = arith.constant 0 : i32
      %dma_start3A_33 = tpu.memref_slice %arg3[%dma_start3A_31, %dma_start3A_32] : memref<1015808x64xf32, #tpu.memory_space<hbm>> -> memref<1015808x64xf32, #tpu.memory_space<hbm>>
      tpu.enqueue_indirect_dma source(%dma_start3A_33 : memref<1015808x64xf32, #tpu.memory_space<hbm>>) target(%dma_start3A_27 : memref<128x64xf32, #tpu.memory_space<vmem>>) offsets(%dma_start3A_30 : memref<128xi32, #tpu.memory_space<vmem>>) semaphore(%arg8 : memref<!tpu.dma_semaphore, #tpu.memory_space<semaphore_mem>>)
      %dma_start3A_34 = arith.constant 2 : i32
      %dma_start3A_35 = arith.constant 256 : i32
      %dma_start3A_36 = arith.constant 0 : i32
      %dma_start3A_37 = tpu.memref_slice %arg6[%dma_start3A_35, %dma_start3A_36] : memref<1280x64xf32, #tpu.memory_space<vmem>> -> memref<128x64xf32, #tpu.memory_space<vmem>>
      %dma_start3A_38 = arith.constant 0 : i32
      %dma_start3A_39 = tpu.memref_slice %arg5[%dma_start3A_34, %dma_start3A_38] : memref<10x128xi32, #tpu.memory_space<vmem>> -> memref<1x128xi32, #tpu.memory_space<vmem>>
      %dma_start3A_40 = tpu.memref_squeeze %dma_start3A_39 : memref<1x128xi32, #tpu.memory_space<vmem>> -> memref<128xi32, #tpu.memory_space<vmem>>
      %dma_start3A_41 = arith.constant 0 : i32
      %dma_start3A_42 = arith.constant 0 : i32
      %dma_start3A_43 = tpu.memref_slice %arg3[%dma_start3A_41, %dma_start3A_42] : memref<1015808x64xf32, #tpu.memory_space<hbm>> -> memref<1015808x64xf32, #tpu.memory_space<hbm>>
      tpu.enqueue_indirect_dma source(%dma_start3A_43 : memref<1015808x64xf32, #tpu.memory_space<hbm>>) target(%dma_start3A_37 : memref<128x64xf32, #tpu.memory_space<vmem>>) offsets(%dma_start3A_40 : memref<128xi32, #tpu.memory_space<vmem>>) semaphore(%arg8 : memref<!tpu.dma_semaphore, #tpu.memory_space<semaphore_mem>>)
      %dma_start3A_44 = arith.constant 3 : i32
      %dma_start3A_45 = arith.constant 384 : i32
      %dma_start3A_46 = arith.constant 0 : i32
      %dma_start3A_47 = tpu.memref_slice %arg6[%dma_start3A_45, %dma_start3A_46] : memref<1280x64xf32, #tpu.memory_space<vmem>> -> memref<128x64xf32, #tpu.memory_space<vmem>>
      %dma_start3A_48 = arith.constant 0 : i32
      %dma_start3A_49 = tpu.memref_slice %arg5[%dma_start3A_44, %dma_start3A_48] : memref<10x128xi32, #tpu.memory_space<vmem>> -> memref<1x128xi32, #tpu.memory_space<vmem>>
      %dma_start3A_50 = tpu.memref_squeeze %dma_start3A_49 : memref<1x128xi32, #tpu.memory_space<vmem>> -> memref<128xi32, #tpu.memory_space<vmem>>
      %dma_start3A_51 = arith.constant 0 : i32
      %dma_start3A_52 = arith.constant 0 : i32
      %dma_start3A_53 = tpu.memref_slice %arg3[%dma_start3A_51, %dma_start3A_52] : memref<1015808x64xf32, #tpu.memory_space<hbm>> -> memref<1015808x64xf32, #tpu.memory_space<hbm>>
      tpu.enqueue_indirect_dma source(%dma_start3A_53 : memref<1015808x64xf32, #tpu.memory_space<hbm>>) target(%dma_start3A_47 : memref<128x64xf32, #tpu.memory_space<vmem>>) offsets(%dma_start3A_50 : memref<128xi32, #tpu.memory_space<vmem>>) semaphore(%arg8 : memref<!tpu.dma_semaphore, #tpu.memory_space<semaphore_mem>>)
      %dma_start3A_54 = arith.constant 4 : i32
      %dma_start3A_55 = arith.constant 512 : i32
      %dma_start3A_56 = arith.constant 0 : i32
      %dma_start3A_57 = tpu.memref_slice %arg6[%dma_start3A_55, %dma_start3A_56] : memref<1280x64xf32, #tpu.memory_space<vmem>> -> memref<128x64xf32, #tpu.memory_space<vmem>>
      %dma_start3A_58 = arith.constant 0 : i32
      %dma_start3A_59 = tpu.memref_slice %arg5[%dma_start3A_54, %dma_start3A_58] : memref<10x128xi32, #tpu.memory_space<vmem>> -> memref<1x128xi32, #tpu.memory_space<vmem>>
      %dma_start3A_60 = tpu.memref_squeeze %dma_start3A_59 : memref<1x128xi32, #tpu.memory_space<vmem>> -> memref<128xi32, #tpu.memory_space<vmem>>
      %dma_start3A_61 = arith.constant 0 : i32
      %dma_start3A_62 = arith.constant 0 : i32
      %dma_start3A_63 = tpu.memref_slice %arg3[%dma_start3A_61, %dma_start3A_62] : memref<1015808x64xf32, #tpu.memory_space<hbm>> -> memref<1015808x64xf32, #tpu.memory_space<hbm>>
      tpu.enqueue_indirect_dma source(%dma_start3A_63 : memref<1015808x64xf32, #tpu.memory_space<hbm>>) target(%dma_start3A_57 : memref<128x64xf32, #tpu.memory_space<vmem>>) offsets(%dma_start3A_60 : memref<128xi32, #tpu.memory_space<vmem>>) semaphore(%arg8 : memref<!tpu.dma_semaphore, #tpu.memory_space<semaphore_mem>>)
      %dma_start3A_64 = arith.constant 5 : i32
      %dma_start3A_65 = arith.constant 640 : i32
      %dma_start3A_66 = arith.constant 0 : i32
      %dma_start3A_67 = tpu.memref_slice %arg6[%dma_start3A_65, %dma_start3A_66] : memref<1280x64xf32, #tpu.memory_space<vmem>> -> memref<128x64xf32, #tpu.memory_space<vmem>>
      %dma_start3A_68 = arith.constant 0 : i32
      %dma_start3A_69 = tpu.memref_slice %arg5[%dma_start3A_64, %dma_start3A_68] : memref<10x128xi32, #tpu.memory_space<vmem>> -> memref<1x128xi32, #tpu.memory_space<vmem>>
      %dma_start3A_70 = tpu.memref_squeeze %dma_start3A_69 : memref<1x128xi32, #tpu.memory_space<vmem>> -> memref<128xi32, #tpu.memory_space<vmem>>
      %dma_start3A_71 = arith.constant 0 : i32
      %dma_start3A_72 = arith.constant 0 : i32
      %dma_start3A_73 = tpu.memref_slice %arg3[%dma_start3A_71, %dma_start3A_72] : memref<1015808x64xf32, #tpu.memory_space<hbm>> -> memref<1015808x64xf32, #tpu.memory_space<hbm>>
      tpu.enqueue_indirect_dma source(%dma_start3A_73 : memref<1015808x64xf32, #tpu.memory_space<hbm>>) target(%dma_start3A_67 : memref<128x64xf32, #tpu.memory_space<vmem>>) offsets(%dma_start3A_70 : memref<128xi32, #tpu.memory_space<vmem>>) semaphore(%arg8 : memref<!tpu.dma_semaphore, #tpu.memory_space<semaphore_mem>>)
      %dma_start3A_74 = arith.constant 6 : i32
      %dma_start3A_75 = arith.constant 768 : i32
      %dma_start3A_76 = arith.constant 0 : i32
      %dma_start3A_77 = tpu.memref_slice %arg6[%dma_start3A_75, %dma_start3A_76] : memref<1280x64xf32, #tpu.memory_space<vmem>> -> memref<128x64xf32, #tpu.memory_space<vmem>>
      %dma_start3A_78 = arith.constant 0 : i32
      %dma_start3A_79 = tpu.memref_slice %arg5[%dma_start3A_74, %dma_start3A_78] : memref<10x128xi32, #tpu.memory_space<vmem>> -> memref<1x128xi32, #tpu.memory_space<vmem>>
      %dma_start3A_80 = tpu.memref_squeeze %dma_start3A_79 : memref<1x128xi32, #tpu.memory_space<vmem>> -> memref<128xi32, #tpu.memory_space<vmem>>
      %dma_start3A_81 = arith.constant 0 : i32
      %dma_start3A_82 = arith.constant 0 : i32
      %dma_start3A_83 = tpu.memref_slice %arg3[%dma_start3A_81, %dma_start3A_82] : memref<1015808x64xf32, #tpu.memory_space<hbm>> -> memref<1015808x64xf32, #tpu.memory_space<hbm>>
      tpu.enqueue_indirect_dma source(%dma_start3A_83 : memref<1015808x64xf32, #tpu.memory_space<hbm>>) target(%dma_start3A_77 : memref<128x64xf32, #tpu.memory_space<vmem>>) offsets(%dma_start3A_80 : memref<128xi32, #tpu.memory_space<vmem>>) semaphore(%arg8 : memref<!tpu.dma_semaphore, #tpu.memory_space<semaphore_mem>>)
      %dma_start3A_84 = arith.constant 7 : i32
      %dma_start3A_85 = arith.constant 896 : i32
      %dma_start3A_86 = arith.constant 0 : i32
      %dma_start3A_87 = tpu.memref_slice %arg6[%dma_start3A_85, %dma_start3A_86] : memref<1280x64xf32, #tpu.memory_space<vmem>> -> memref<128x64xf32, #tpu.memory_space<vmem>>
      %dma_start3A_88 = arith.constant 0 : i32
      %dma_start3A_89 = tpu.memref_slice %arg5[%dma_start3A_84, %dma_start3A_88] : memref<10x128xi32, #tpu.memory_space<vmem>> -> memref<1x128xi32, #tpu.memory_space<vmem>>
      %dma_start3A_90 = tpu.memref_squeeze %dma_start3A_89 : memref<1x128xi32, #tpu.memory_space<vmem>> -> memref<128xi32, #tpu.memory_space<vmem>>
      %dma_start3A_91 = arith.constant 0 : i32
      %dma_start3A_92 = arith.constant 0 : i32
      %dma_start3A_93 = tpu.memref_slice %arg3[%dma_start3A_91, %dma_start3A_92] : memref<1015808x64xf32, #tpu.memory_space<hbm>> -> memref<1015808x64xf32, #tpu.memory_space<hbm>>
      tpu.enqueue_indirect_dma source(%dma_start3A_93 : memref<1015808x64xf32, #tpu.memory_space<hbm>>) target(%dma_start3A_87 : memref<128x64xf32, #tpu.memory_space<vmem>>) offsets(%dma_start3A_90 : memref<128xi32, #tpu.memory_space<vmem>>) semaphore(%arg8 : memref<!tpu.dma_semaphore, #tpu.memory_space<semaphore_mem>>)
      %dma_start3A_94 = arith.constant 8 : i32
      %dma_start3A_95 = arith.constant 1024 : i32
      %dma_start3A_96 = arith.constant 0 : i32
      %dma_start3A_97 = tpu.memref_slice %arg6[%dma_start3A_95, %dma_start3A_96] : memref<1280x64xf32, #tpu.memory_space<vmem>> -> memref<128x64xf32, #tpu.memory_space<vmem>>
      %dma_start3A_98 = arith.constant 0 : i32
      %dma_start3A_99 = tpu.memref_slice %arg5[%dma_start3A_94, %dma_start3A_98] : memref<10x128xi32, #tpu.memory_space<vmem>> -> memref<1x128xi32, #tpu.memory_space<vmem>>
      %dma_start3A_100 = tpu.memref_squeeze %dma_start3A_99 : memref<1x128xi32, #tpu.memory_space<vmem>> -> memref<128xi32, #tpu.memory_space<vmem>>
      %dma_start3A_101 = arith.constant 0 : i32
      %dma_start3A_102 = arith.constant 0 : i32
      %dma_start3A_103 = tpu.memref_slice %arg3[%dma_start3A_101, %dma_start3A_102] : memref<1015808x64xf32, #tpu.memory_space<hbm>> -> memref<1015808x64xf32, #tpu.memory_space<hbm>>
      tpu.enqueue_indirect_dma source(%dma_start3A_103 : memref<1015808x64xf32, #tpu.memory_space<hbm>>) target(%dma_start3A_97 : memref<128x64xf32, #tpu.memory_space<vmem>>) offsets(%dma_start3A_100 : memref<128xi32, #tpu.memory_space<vmem>>) semaphore(%arg8 : memref<!tpu.dma_semaphore, #tpu.memory_space<semaphore_mem>>)
      %dma_start3A_104 = arith.constant 9 : i32
      %dma_start3A_105 = arith.constant 1152 : i32
      %dma_start3A_106 = arith.constant 0 : i32
      %dma_start3A_107 = tpu.memref_slice %arg6[%dma_start3A_105, %dma_start3A_106] : memref<1280x64xf32, #tpu.memory_space<vmem>> -> memref<128x64xf32, #tpu.memory_space<vmem>>
      %dma_start3A_108 = arith.constant 0 : i32
      %dma_start3A_109 = tpu.memref_slice %arg5[%dma_start3A_104, %dma_start3A_108] : memref<10x128xi32, #tpu.memory_space<vmem>> -> memref<1x128xi32, #tpu.memory_space<vmem>>
      %dma_start3A_110 = tpu.memref_squeeze %dma_start3A_109 : memref<1x128xi32, #tpu.memory_space<vmem>> -> memref<128xi32, #tpu.memory_space<vmem>>
      %dma_start3A_111 = arith.constant 0 : i32
      %dma_start3A_112 = arith.constant 0 : i32
      %dma_start3A_113 = tpu.memref_slice %arg3[%dma_start3A_111, %dma_start3A_112] : memref<1015808x64xf32, #tpu.memory_space<hbm>> -> memref<1015808x64xf32, #tpu.memory_space<hbm>>
      tpu.enqueue_indirect_dma source(%dma_start3A_113 : memref<1015808x64xf32, #tpu.memory_space<hbm>>) target(%dma_start3A_107 : memref<128x64xf32, #tpu.memory_space<vmem>>) offsets(%dma_start3A_110 : memref<128xi32, #tpu.memory_space<vmem>>) semaphore(%arg8 : memref<!tpu.dma_semaphore, #tpu.memory_space<semaphore_mem>>)
      %dma_wait3A = arith.constant 0 : i32
      %dma_wait3A_114 = arith.constant 0 : i32
      %dma_wait3A_115 = arith.constant 0 : i32
      %dma_wait3A_116 = tpu.memref_slice %arg6[%dma_wait3A_114, %dma_wait3A_115] : memref<1280x64xf32, #tpu.memory_space<vmem>> -> memref<128x64xf32, #tpu.memory_space<vmem>>
      %dma_wait3A_117 = arith.constant 0 : i32
      %dma_wait3A_118 = tpu.memref_slice %arg5[%dma_wait3A, %dma_wait3A_117] : memref<10x128xi32, #tpu.memory_space<vmem>> -> memref<1x128xi32, #tpu.memory_space<vmem>>
      %dma_wait3A_119 = tpu.memref_squeeze %dma_wait3A_118 : memref<1x128xi32, #tpu.memory_space<vmem>> -> memref<128xi32, #tpu.memory_space<vmem>>
      %dma_wait3A_120 = arith.constant 0 : i32
      %dma_wait3A_121 = arith.constant 0 : i32
      %dma_wait3A_122 = tpu.memref_slice %arg3[%dma_wait3A_120, %dma_wait3A_121] : memref<1015808x64xf32, #tpu.memory_space<hbm>> -> memref<1015808x64xf32, #tpu.memory_space<hbm>>
      tpu.wait_indirect_dma semaphore(%arg8 : memref<!tpu.dma_semaphore, #tpu.memory_space<semaphore_mem>>) src(%dma_wait3A_122 : memref<1015808x64xf32, #tpu.memory_space<hbm>>) dst(%dma_wait3A_116 : memref<128x64xf32, #tpu.memory_space<vmem>>)
      %dma_wait3A_123 = arith.constant 1 : i32
      %dma_wait3A_124 = arith.constant 128 : i32
      %dma_wait3A_125 = arith.constant 0 : i32
      %dma_wait3A_126 = tpu.memref_slice %arg6[%dma_wait3A_124, %dma_wait3A_125] : memref<1280x64xf32, #tpu.memory_space<vmem>> -> memref<128x64xf32, #tpu.memory_space<vmem>>
      %dma_wait3A_127 = arith.constant 0 : i32
      %dma_wait3A_128 = tpu.memref_slice %arg5[%dma_wait3A_123, %dma_wait3A_127] : memref<10x128xi32, #tpu.memory_space<vmem>> -> memref<1x128xi32, #tpu.memory_space<vmem>>
      %dma_wait3A_129 = tpu.memref_squeeze %dma_wait3A_128 : memref<1x128xi32, #tpu.memory_space<vmem>> -> memref<128xi32, #tpu.memory_space<vmem>>
      %dma_wait3A_130 = arith.constant 0 : i32
      %dma_wait3A_131 = arith.constant 0 : i32
      %dma_wait3A_132 = tpu.memref_slice %arg3[%dma_wait3A_130, %dma_wait3A_131] : memref<1015808x64xf32, #tpu.memory_space<hbm>> -> memref<1015808x64xf32, #tpu.memory_space<hbm>>
      tpu.wait_indirect_dma semaphore(%arg8 : memref<!tpu.dma_semaphore, #tpu.memory_space<semaphore_mem>>) src(%dma_wait3A_132 : memref<1015808x64xf32, #tpu.memory_space<hbm>>) dst(%dma_wait3A_126 : memref<128x64xf32, #tpu.memory_space<vmem>>)
      %dma_wait3A_133 = arith.constant 2 : i32
      %dma_wait3A_134 = arith.constant 256 : i32
      %dma_wait3A_135 = arith.constant 0 : i32
      %dma_wait3A_136 = tpu.memref_slice %arg6[%dma_wait3A_134, %dma_wait3A_135] : memref<1280x64xf32, #tpu.memory_space<vmem>> -> memref<128x64xf32, #tpu.memory_space<vmem>>
      %dma_wait3A_137 = arith.constant 0 : i32
      %dma_wait3A_138 = tpu.memref_slice %arg5[%dma_wait3A_133, %dma_wait3A_137] : memref<10x128xi32, #tpu.memory_space<vmem>> -> memref<1x128xi32, #tpu.memory_space<vmem>>
      %dma_wait3A_139 = tpu.memref_squeeze %dma_wait3A_138 : memref<1x128xi32, #tpu.memory_space<vmem>> -> memref<128xi32, #tpu.memory_space<vmem>>
      %dma_wait3A_140 = arith.constant 0 : i32
      %dma_wait3A_141 = arith.constant 0 : i32
      %dma_wait3A_142 = tpu.memref_slice %arg3[%dma_wait3A_140, %dma_wait3A_141] : memref<1015808x64xf32, #tpu.memory_space<hbm>> -> memref<1015808x64xf32, #tpu.memory_space<hbm>>
      tpu.wait_indirect_dma semaphore(%arg8 : memref<!tpu.dma_semaphore, #tpu.memory_space<semaphore_mem>>) src(%dma_wait3A_142 : memref<1015808x64xf32, #tpu.memory_space<hbm>>) dst(%dma_wait3A_136 : memref<128x64xf32, #tpu.memory_space<vmem>>)
      %dma_wait3A_143 = arith.constant 3 : i32
      %dma_wait3A_144 = arith.constant 384 : i32
      %dma_wait3A_145 = arith.constant 0 : i32
      %dma_wait3A_146 = tpu.memref_slice %arg6[%dma_wait3A_144, %dma_wait3A_145] : memref<1280x64xf32, #tpu.memory_space<vmem>> -> memref<128x64xf32, #tpu.memory_space<vmem>>
      %dma_wait3A_147 = arith.constant 0 : i32
      %dma_wait3A_148 = tpu.memref_slice %arg5[%dma_wait3A_143, %dma_wait3A_147] : memref<10x128xi32, #tpu.memory_space<vmem>> -> memref<1x128xi32, #tpu.memory_space<vmem>>
      %dma_wait3A_149 = tpu.memref_squeeze %dma_wait3A_148 : memref<1x128xi32, #tpu.memory_space<vmem>> -> memref<128xi32, #tpu.memory_space<vmem>>
      %dma_wait3A_150 = arith.constant 0 : i32
      %dma_wait3A_151 = arith.constant 0 : i32
      %dma_wait3A_152 = tpu.memref_slice %arg3[%dma_wait3A_150, %dma_wait3A_151] : memref<1015808x64xf32, #tpu.memory_space<hbm>> -> memref<1015808x64xf32, #tpu.memory_space<hbm>>
      tpu.wait_indirect_dma semaphore(%arg8 : memref<!tpu.dma_semaphore, #tpu.memory_space<semaphore_mem>>) src(%dma_wait3A_152 : memref<1015808x64xf32, #tpu.memory_space<hbm>>) dst(%dma_wait3A_146 : memref<128x64xf32, #tpu.memory_space<vmem>>)
      %dma_wait3A_153 = arith.constant 4 : i32
      %dma_wait3A_154 = arith.constant 512 : i32
      %dma_wait3A_155 = arith.constant 0 : i32
      %dma_wait3A_156 = tpu.memref_slice %arg6[%dma_wait3A_154, %dma_wait3A_155] : memref<1280x64xf32, #tpu.memory_space<vmem>> -> memref<128x64xf32, #tpu.memory_space<vmem>>
      %dma_wait3A_157 = arith.constant 0 : i32
      %dma_wait3A_158 = tpu.memref_slice %arg5[%dma_wait3A_153, %dma_wait3A_157] : memref<10x128xi32, #tpu.memory_space<vmem>> -> memref<1x128xi32, #tpu.memory_space<vmem>>
      %dma_wait3A_159 = tpu.memref_squeeze %dma_wait3A_158 : memref<1x128xi32, #tpu.memory_space<vmem>> -> memref<128xi32, #tpu.memory_space<vmem>>
      %dma_wait3A_160 = arith.constant 0 : i32
      %dma_wait3A_161 = arith.constant 0 : i32
      %dma_wait3A_162 = tpu.memref_slice %arg3[%dma_wait3A_160, %dma_wait3A_161] : memref<1015808x64xf32, #tpu.memory_space<hbm>> -> memref<1015808x64xf32, #tpu.memory_space<hbm>>
      tpu.wait_indirect_dma semaphore(%arg8 : memref<!tpu.dma_semaphore, #tpu.memory_space<semaphore_mem>>) src(%dma_wait3A_162 : memref<1015808x64xf32, #tpu.memory_space<hbm>>) dst(%dma_wait3A_156 : memref<128x64xf32, #tpu.memory_space<vmem>>)
      %dma_wait3A_163 = arith.constant 5 : i32
      %dma_wait3A_164 = arith.constant 640 : i32
      %dma_wait3A_165 = arith.constant 0 : i32
      %dma_wait3A_166 = tpu.memref_slice %arg6[%dma_wait3A_164, %dma_wait3A_165] : memref<1280x64xf32, #tpu.memory_space<vmem>> -> memref<128x64xf32, #tpu.memory_space<vmem>>
      %dma_wait3A_167 = arith.constant 0 : i32
      %dma_wait3A_168 = tpu.memref_slice %arg5[%dma_wait3A_163, %dma_wait3A_167] : memref<10x128xi32, #tpu.memory_space<vmem>> -> memref<1x128xi32, #tpu.memory_space<vmem>>
      %dma_wait3A_169 = tpu.memref_squeeze %dma_wait3A_168 : memref<1x128xi32, #tpu.memory_space<vmem>> -> memref<128xi32, #tpu.memory_space<vmem>>
      %dma_wait3A_170 = arith.constant 0 : i32
      %dma_wait3A_171 = arith.constant 0 : i32
      %dma_wait3A_172 = tpu.memref_slice %arg3[%dma_wait3A_170, %dma_wait3A_171] : memref<1015808x64xf32, #tpu.memory_space<hbm>> -> memref<1015808x64xf32, #tpu.memory_space<hbm>>
      tpu.wait_indirect_dma semaphore(%arg8 : memref<!tpu.dma_semaphore, #tpu.memory_space<semaphore_mem>>) src(%dma_wait3A_172 : memref<1015808x64xf32, #tpu.memory_space<hbm>>) dst(%dma_wait3A_166 : memref<128x64xf32, #tpu.memory_space<vmem>>)
      %dma_wait3A_173 = arith.constant 6 : i32
      %dma_wait3A_174 = arith.constant 768 : i32
      %dma_wait3A_175 = arith.constant 0 : i32
      %dma_wait3A_176 = tpu.memref_slice %arg6[%dma_wait3A_174, %dma_wait3A_175] : memref<1280x64xf32, #tpu.memory_space<vmem>> -> memref<128x64xf32, #tpu.memory_space<vmem>>
      %dma_wait3A_177 = arith.constant 0 : i32
      %dma_wait3A_178 = tpu.memref_slice %arg5[%dma_wait3A_173, %dma_wait3A_177] : memref<10x128xi32, #tpu.memory_space<vmem>> -> memref<1x128xi32, #tpu.memory_space<vmem>>
      %dma_wait3A_179 = tpu.memref_squeeze %dma_wait3A_178 : memref<1x128xi32, #tpu.memory_space<vmem>> -> memref<128xi32, #tpu.memory_space<vmem>>
      %dma_wait3A_180 = arith.constant 0 : i32
      %dma_wait3A_181 = arith.constant 0 : i32
      %dma_wait3A_182 = tpu.memref_slice %arg3[%dma_wait3A_180, %dma_wait3A_181] : memref<1015808x64xf32, #tpu.memory_space<hbm>> -> memref<1015808x64xf32, #tpu.memory_space<hbm>>
      tpu.wait_indirect_dma semaphore(%arg8 : memref<!tpu.dma_semaphore, #tpu.memory_space<semaphore_mem>>) src(%dma_wait3A_182 : memref<1015808x64xf32, #tpu.memory_space<hbm>>) dst(%dma_wait3A_176 : memref<128x64xf32, #tpu.memory_space<vmem>>)
      %dma_wait3A_183 = arith.constant 7 : i32
      %dma_wait3A_184 = arith.constant 896 : i32
      %dma_wait3A_185 = arith.constant 0 : i32
      %dma_wait3A_186 = tpu.memref_slice %arg6[%dma_wait3A_184, %dma_wait3A_185] : memref<1280x64xf32, #tpu.memory_space<vmem>> -> memref<128x64xf32, #tpu.memory_space<vmem>>
      %dma_wait3A_187 = arith.constant 0 : i32
      %dma_wait3A_188 = tpu.memref_slice %arg5[%dma_wait3A_183, %dma_wait3A_187] : memref<10x128xi32, #tpu.memory_space<vmem>> -> memref<1x128xi32, #tpu.memory_space<vmem>>
      %dma_wait3A_189 = tpu.memref_squeeze %dma_wait3A_188 : memref<1x128xi32, #tpu.memory_space<vmem>> -> memref<128xi32, #tpu.memory_space<vmem>>
      %dma_wait3A_190 = arith.constant 0 : i32
      %dma_wait3A_191 = arith.constant 0 : i32
      %dma_wait3A_192 = tpu.memref_slice %arg3[%dma_wait3A_190, %dma_wait3A_191] : memref<1015808x64xf32, #tpu.memory_space<hbm>> -> memref<1015808x64xf32, #tpu.memory_space<hbm>>
      tpu.wait_indirect_dma semaphore(%arg8 : memref<!tpu.dma_semaphore, #tpu.memory_space<semaphore_mem>>) src(%dma_wait3A_192 : memref<1015808x64xf32, #tpu.memory_space<hbm>>) dst(%dma_wait3A_186 : memref<128x64xf32, #tpu.memory_space<vmem>>)
      %dma_wait3A_193 = arith.constant 8 : i32
      %dma_wait3A_194 = arith.constant 1024 : i32
      %dma_wait3A_195 = arith.constant 0 : i32
      %dma_wait3A_196 = tpu.memref_slice %arg6[%dma_wait3A_194, %dma_wait3A_195] : memref<1280x64xf32, #tpu.memory_space<vmem>> -> memref<128x64xf32, #tpu.memory_space<vmem>>
      %dma_wait3A_197 = arith.constant 0 : i32
      %dma_wait3A_198 = tpu.memref_slice %arg5[%dma_wait3A_193, %dma_wait3A_197] : memref<10x128xi32, #tpu.memory_space<vmem>> -> memref<1x128xi32, #tpu.memory_space<vmem>>
      %dma_wait3A_199 = tpu.memref_squeeze %dma_wait3A_198 : memref<1x128xi32, #tpu.memory_space<vmem>> -> memref<128xi32, #tpu.memory_space<vmem>>
      %dma_wait3A_200 = arith.constant 0 : i32
      %dma_wait3A_201 = arith.constant 0 : i32
      %dma_wait3A_202 = tpu.memref_slice %arg3[%dma_wait3A_200, %dma_wait3A_201] : memref<1015808x64xf32, #tpu.memory_space<hbm>> -> memref<1015808x64xf32, #tpu.memory_space<hbm>>
      tpu.wait_indirect_dma semaphore(%arg8 : memref<!tpu.dma_semaphore, #tpu.memory_space<semaphore_mem>>) src(%dma_wait3A_202 : memref<1015808x64xf32, #tpu.memory_space<hbm>>) dst(%dma_wait3A_196 : memref<128x64xf32, #tpu.memory_space<vmem>>)
      %dma_wait3A_203 = arith.constant 9 : i32
      %dma_wait3A_204 = arith.constant 1152 : i32
      %dma_wait3A_205 = arith.constant 0 : i32
      %dma_wait3A_206 = tpu.memref_slice %arg6[%dma_wait3A_204, %dma_wait3A_205] : memref<1280x64xf32, #tpu.memory_space<vmem>> -> memref<128x64xf32, #tpu.memory_space<vmem>>
      %dma_wait3A_207 = arith.constant 0 : i32
      %dma_wait3A_208 = tpu.memref_slice %arg5[%dma_wait3A_203, %dma_wait3A_207] : memref<10x128xi32, #tpu.memory_space<vmem>> -> memref<1x128xi32, #tpu.memory_space<vmem>>
      %dma_wait3A_209 = tpu.memref_squeeze %dma_wait3A_208 : memref<1x128xi32, #tpu.memory_space<vmem>> -> memref<128xi32, #tpu.memory_space<vmem>>
      %dma_wait3A_210 = arith.constant 0 : i32
      %dma_wait3A_211 = arith.constant 0 : i32
      %dma_wait3A_212 = tpu.memref_slice %arg3[%dma_wait3A_210, %dma_wait3A_211] : memref<1015808x64xf32, #tpu.memory_space<hbm>> -> memref<1015808x64xf32, #tpu.memory_space<hbm>>
      tpu.wait_indirect_dma semaphore(%arg8 : memref<!tpu.dma_semaphore, #tpu.memory_space<semaphore_mem>>) src(%dma_wait3A_212 : memref<1015808x64xf32, #tpu.memory_space<hbm>>) dst(%dma_wait3A_206 : memref<128x64xf32, #tpu.memory_space<vmem>>)
      %scan3A_213 = arith.constant 0 : i32
      %scan3A_214 = arith.constant 0 : i32
      %scan3A_215 = arith.constant 64 : i32
      %scan3A_216 = arith.addi %scan3A_214, %scan3A_215 : i32
      %scan3A_217 = arith.constant 1 : i32
      scf.for %scan3A_219 = %scan3A_214 to %scan3A_216 step %scan3A_217  : i32 {
        %mul3A_220 = arith.constant 20 : i32
        %mul3A_221 = arith.muli %scan3A_219, %mul3A_220 : i32
        %get3A = arith.index_cast %mul3A_221 : i32 to index
        %get3A_222 = arith.constant 0 : index
        %get3A_223 = tpu.vector_load %arg6[%get3A, %get3A_222] {strides = array<i32>} : memref<1280x64xf32, #tpu.memory_space<vmem>>, vector<1x16xf32>,
        %get3A_224 = vector.shape_cast %get3A_223 : vector<1x16xf32> to vector<16xf32>
        %add3A_225 = arith.constant 1 : i32
        %add3A_226 = arith.addi %mul3A_221, %add3A_225 : i32
        %get3A_227 = arith.index_cast %add3A_226 : i32 to index
        %get3A_228 = arith.constant 0 : index
        %get3A_229 = tpu.vector_load %arg6[%get3A_227, %get3A_228] {strides = array<i32>} : memref<1280x64xf32, #tpu.memory_space<vmem>>, vector<1x16xf32>,
        %get3A_230 = vector.shape_cast %get3A_229 : vector<1x16xf32> to vector<16xf32>
        %add3A_231 = arith.addf %get3A_224, %get3A_230 : vector<16xf32>
        %add3A_232 = arith.constant 2 : i32
        %add3A_233 = arith.addi %mul3A_221, %add3A_232 : i32
        %get3A_234 = arith.index_cast %add3A_233 : i32 to index
        %get3A_235 = arith.constant 0 : index
        %get3A_236 = tpu.vector_load %arg6[%get3A_234, %get3A_235] {strides = array<i32>} : memref<1280x64xf32, #tpu.memory_space<vmem>>, vector<1x16xf32>,
        %get3A_237 = vector.shape_cast %get3A_236 : vector<1x16xf32> to vector<16xf32>
        %add3A_238 = arith.addf %add3A_231, %get3A_237 : vector<16xf32>
        %add3A_239 = arith.constant 3 : i32
        %add3A_240 = arith.addi %mul3A_221, %add3A_239 : i32
        %get3A_241 = arith.index_cast %add3A_240 : i32 to index
        %get3A_242 = arith.constant 0 : index
        %get3A_243 = tpu.vector_load %arg6[%get3A_241, %get3A_242] {strides = array<i32>} : memref<1280x64xf32, #tpu.memory_space<vmem>>, vector<1x16xf32>,
        %get3A_244 = vector.shape_cast %get3A_243 : vector<1x16xf32> to vector<16xf32>
        %add3A_245 = arith.addf %add3A_238, %get3A_244 : vector<16xf32>
        %add3A_246 = arith.constant 4 : i32
        %add3A_247 = arith.addi %mul3A_221, %add3A_246 : i32
        %get3A_248 = arith.index_cast %add3A_247 : i32 to index
        %get3A_249 = arith.constant 0 : index
        %get3A_250 = tpu.vector_load %arg6[%get3A_248, %get3A_249] {strides = array<i32>} : memref<1280x64xf32, #tpu.memory_space<vmem>>, vector<1x16xf32>,
        %get3A_251 = vector.shape_cast %get3A_250 : vector<1x16xf32> to vector<16xf32>
        %add3A_252 = arith.addf %add3A_245, %get3A_251 : vector<16xf32>
        %add3A_253 = arith.constant 5 : i32
        %add3A_254 = arith.addi %mul3A_221, %add3A_253 : i32
        %get3A_255 = arith.index_cast %add3A_254 : i32 to index
        %get3A_256 = arith.constant 0 : index
        %get3A_257 = tpu.vector_load %arg6[%get3A_255, %get3A_256] {strides = array<i32>} : memref<1280x64xf32, #tpu.memory_space<vmem>>, vector<1x16xf32>,
        %get3A_258 = vector.shape_cast %get3A_257 : vector<1x16xf32> to vector<16xf32>
        %add3A_259 = arith.addf %add3A_252, %get3A_258 : vector<16xf32>
        %add3A_260 = arith.constant 6 : i32
        %add3A_261 = arith.addi %mul3A_221, %add3A_260 : i32
        %get3A_262 = arith.index_cast %add3A_261 : i32 to index
        %get3A_263 = arith.constant 0 : index
        %get3A_264 = tpu.vector_load %arg6[%get3A_262, %get3A_263] {strides = array<i32>} : memref<1280x64xf32, #tpu.memory_space<vmem>>, vector<1x16xf32>,
        %get3A_265 = vector.shape_cast %get3A_264 : vector<1x16xf32> to vector<16xf32>
        %add3A_266 = arith.addf %add3A_259, %get3A_265 : vector<16xf32>
        %add3A_267 = arith.constant 7 : i32
        %add3A_268 = arith.addi %mul3A_221, %add3A_267 : i32
        %get3A_269 = arith.index_cast %add3A_268 : i32 to index
        %get3A_270 = arith.constant 0 : index
        %get3A_271 = tpu.vector_load %arg6[%get3A_269, %get3A_270] {strides = array<i32>} : memref<1280x64xf32, #tpu.memory_space<vmem>>, vector<1x16xf32>,
        %get3A_272 = vector.shape_cast %get3A_271 : vector<1x16xf32> to vector<16xf32>
        %add3A_273 = arith.addf %add3A_266, %get3A_272 : vector<16xf32>
        %add3A_274 = arith.constant 8 : i32
        %add3A_275 = arith.addi %mul3A_221, %add3A_274 : i32
        %get3A_276 = arith.index_cast %add3A_275 : i32 to index
        %get3A_277 = arith.constant 0 : index
        %get3A_278 = tpu.vector_load %arg6[%get3A_276, %get3A_277] {strides = array<i32>} : memref<1280x64xf32, #tpu.memory_space<vmem>>, vector<1x16xf32>,
        %get3A_279 = vector.shape_cast %get3A_278 : vector<1x16xf32> to vector<16xf32>
        %add3A_280 = arith.addf %add3A_273, %get3A_279 : vector<16xf32>
        %add3A_281 = arith.constant 9 : i32
        %add3A_282 = arith.addi %mul3A_221, %add3A_281 : i32
        %get3A_283 = arith.index_cast %add3A_282 : i32 to index
        %get3A_284 = arith.constant 0 : index
        %get3A_285 = tpu.vector_load %arg6[%get3A_283, %get3A_284] {strides = array<i32>} : memref<1280x64xf32, #tpu.memory_space<vmem>>, vector<1x16xf32>,
        %get3A_286 = vector.shape_cast %get3A_285 : vector<1x16xf32> to vector<16xf32>
        %add3A_287 = arith.addf %add3A_280, %get3A_286 : vector<16xf32>
        %add3A_288 = arith.constant 10 : i32
        %add3A_289 = arith.addi %mul3A_221, %add3A_288 : i32
        %get3A_290 = arith.index_cast %add3A_289 : i32 to index
        %get3A_291 = arith.constant 0 : index
        %get3A_292 = tpu.vector_load %arg6[%get3A_290, %get3A_291] {strides = array<i32>} : memref<1280x64xf32, #tpu.memory_space<vmem>>, vector<1x16xf32>,
        %get3A_293 = vector.shape_cast %get3A_292 : vector<1x16xf32> to vector<16xf32>
        %add3A_294 = arith.addf %add3A_287, %get3A_293 : vector<16xf32>
        %add3A_295 = arith.constant 11 : i32
        %add3A_296 = arith.addi %mul3A_221, %add3A_295 : i32
        %get3A_297 = arith.index_cast %add3A_296 : i32 to index
        %get3A_298 = arith.constant 0 : index
        %get3A_299 = tpu.vector_load %arg6[%get3A_297, %get3A_298] {strides = array<i32>} : memref<1280x64xf32, #tpu.memory_space<vmem>>, vector<1x16xf32>,
        %get3A_300 = vector.shape_cast %get3A_299 : vector<1x16xf32> to vector<16xf32>
        %add3A_301 = arith.addf %add3A_294, %get3A_300 : vector<16xf32>
        %add3A_302 = arith.constant 12 : i32
        %add3A_303 = arith.addi %mul3A_221, %add3A_302 : i32
        %get3A_304 = arith.index_cast %add3A_303 : i32 to index
        %get3A_305 = arith.constant 0 : index
        %get3A_306 = tpu.vector_load %arg6[%get3A_304, %get3A_305] {strides = array<i32>} : memref<1280x64xf32, #tpu.memory_space<vmem>>, vector<1x16xf32>,
        %get3A_307 = vector.shape_cast %get3A_306 : vector<1x16xf32> to vector<16xf32>
        %add3A_308 = arith.addf %add3A_301, %get3A_307 : vector<16xf32>
        %add3A_309 = arith.constant 13 : i32
        %add3A_310 = arith.addi %mul3A_221, %add3A_309 : i32
        %get3A_311 = arith.index_cast %add3A_310 : i32 to index
        %get3A_312 = arith.constant 0 : index
        %get3A_313 = tpu.vector_load %arg6[%get3A_311, %get3A_312] {strides = array<i32>} : memref<1280x64xf32, #tpu.memory_space<vmem>>, vector<1x16xf32>,
        %get3A_314 = vector.shape_cast %get3A_313 : vector<1x16xf32> to vector<16xf32>
        %add3A_315 = arith.addf %add3A_308, %get3A_314 : vector<16xf32>
        %add3A_316 = arith.constant 14 : i32
        %add3A_317 = arith.addi %mul3A_221, %add3A_316 : i32
        %get3A_318 = arith.index_cast %add3A_317 : i32 to index
        %get3A_319 = arith.constant 0 : index
        %get3A_320 = tpu.vector_load %arg6[%get3A_318, %get3A_319] {strides = array<i32>} : memref<1280x64xf32, #tpu.memory_space<vmem>>, vector<1x16xf32>,
        %get3A_321 = vector.shape_cast %get3A_320 : vector<1x16xf32> to vector<16xf32>
        %add3A_322 = arith.addf %add3A_315, %get3A_321 : vector<16xf32>
        %add3A_323 = arith.constant 15 : i32
        %add3A_324 = arith.addi %mul3A_221, %add3A_323 : i32
        %get3A_325 = arith.index_cast %add3A_324 : i32 to index
        %get3A_326 = arith.constant 0 : index
        %get3A_327 = tpu.vector_load %arg6[%get3A_325, %get3A_326] {strides = array<i32>} : memref<1280x64xf32, #tpu.memory_space<vmem>>, vector<1x16xf32>,
        %get3A_328 = vector.shape_cast %get3A_327 : vector<1x16xf32> to vector<16xf32>
        %add3A_329 = arith.addf %add3A_322, %get3A_328 : vector<16xf32>
        %add3A_330 = arith.constant 16 : i32
        %add3A_331 = arith.addi %mul3A_221, %add3A_330 : i32
        %get3A_332 = arith.index_cast %add3A_331 : i32 to index
        %get3A_333 = arith.constant 0 : index
        %get3A_334 = tpu.vector_load %arg6[%get3A_332, %get3A_333] {strides = array<i32>} : memref<1280x64xf32, #tpu.memory_space<vmem>>, vector<1x16xf32>,
        %get3A_335 = vector.shape_cast %get3A_334 : vector<1x16xf32> to vector<16xf32>
        %add3A_336 = arith.addf %add3A_329, %get3A_335 : vector<16xf32>
        %add3A_337 = arith.constant 17 : i32
        %add3A_338 = arith.addi %mul3A_221, %add3A_337 : i32
        %get3A_339 = arith.index_cast %add3A_338 : i32 to index
        %get3A_340 = arith.constant 0 : index
        %get3A_341 = tpu.vector_load %arg6[%get3A_339, %get3A_340] {strides = array<i32>} : memref<1280x64xf32, #tpu.memory_space<vmem>>, vector<1x16xf32>,
        %get3A_342 = vector.shape_cast %get3A_341 : vector<1x16xf32> to vector<16xf32>
        %add3A_343 = arith.addf %add3A_336, %get3A_342 : vector<16xf32>
        %add3A_344 = arith.constant 18 : i32
        %add3A_345 = arith.addi %mul3A_221, %add3A_344 : i32
        %get3A_346 = arith.index_cast %add3A_345 : i32 to index
        %get3A_347 = arith.constant 0 : index
        %get3A_348 = tpu.vector_load %arg6[%get3A_346, %get3A_347] {strides = array<i32>} : memref<1280x64xf32, #tpu.memory_space<vmem>>, vector<1x16xf32>,
        %get3A_349 = vector.shape_cast %get3A_348 : vector<1x16xf32> to vector<16xf32>
        %add3A_350 = arith.addf %add3A_343, %get3A_349 : vector<16xf32>
        %add3A_351 = arith.constant 19 : i32
        %add3A_352 = arith.addi %mul3A_221, %add3A_351 : i32
        %get3A_353 = arith.index_cast %add3A_352 : i32 to index
        %get3A_354 = arith.constant 0 : index
        %get3A_355 = tpu.vector_load %arg6[%get3A_353, %get3A_354] {strides = array<i32>} : memref<1280x64xf32, #tpu.memory_space<vmem>>, vector<1x16xf32>,
        %get3A_356 = vector.shape_cast %get3A_355 : vector<1x16xf32> to vector<16xf32>
        %add3A_357 = arith.addf %add3A_350, %get3A_356 : vector<16xf32>
        %mul3A_358 = arith.constant 5.000000e-02 : f32
        %mul3A_359 = vector.broadcast %mul3A_358 : f32 to vector<16xf32>
        %mul3A_360 = arith.mulf %add3A_357, %mul3A_359 : vector<16xf32>
        %swap3A = arith.index_cast %scan3A_219 : i32 to index
        %swap3A_361 = arith.constant 0 : index
        %swap3A_362 = tpu.vector_load %arg7[%swap3A, %swap3A_361] {strides = array<i32>} : memref<64x64xf32, #tpu.memory_space<vmem>>, vector<1x16xf32>,
        %swap3A_363 = vector.shape_cast %swap3A_362 : vector<1x16xf32> to vector<16xf32>
        %swap3A_364 = vector.shape_cast %mul3A_360 : vector<16xf32> to vector<1x16xf32>
        tpu.vector_store %arg7[%swap3A, %swap3A_361], %swap3A_364 {strides = array<i32>} : memref<64x64xf32, #tpu.memory_space<vmem>>, vector<1x16xf32>,
        %get3A_365 = arith.index_cast %mul3A_221 : i32 to index
        %get3A_366 = arith.constant 16 : index
        %get3A_367 = tpu.vector_load %arg6[%get3A_365, %get3A_366] {strides = array<i32>} : memref<1280x64xf32, #tpu.memory_space<vmem>>, vector<1x16xf32>,
        %get3A_368 = vector.shape_cast %get3A_367 : vector<1x16xf32> to vector<16xf32>
        %add3A_369 = arith.constant 1 : i32
        %add3A_370 = arith.addi %mul3A_221, %add3A_369 : i32
        %get3A_371 = arith.index_cast %add3A_370 : i32 to index
        %get3A_372 = arith.constant 16 : index
        %get3A_373 = tpu.vector_load %arg6[%get3A_371, %get3A_372] {strides = array<i32>} : memref<1280x64xf32, #tpu.memory_space<vmem>>, vector<1x16xf32>,
        %get3A_374 = vector.shape_cast %get3A_373 : vector<1x16xf32> to vector<16xf32>
        %add3A_375 = arith.addf %get3A_368, %get3A_374 : vector<16xf32>
        %add3A_376 = arith.constant 2 : i32
        %add3A_377 = arith.addi %mul3A_221, %add3A_376 : i32
        %get3A_378 = arith.index_cast %add3A_377 : i32 to index
        %get3A_379 = arith.constant 16 : index
        %get3A_380 = tpu.vector_load %arg6[%get3A_378, %get3A_379] {strides = array<i32>} : memref<1280x64xf32, #tpu.memory_space<vmem>>, vector<1x16xf32>,
        %get3A_381 = vector.shape_cast %get3A_380 : vector<1x16xf32> to vector<16xf32>
        %add3A_382 = arith.addf %add3A_375, %get3A_381 : vector<16xf32>
        %add3A_383 = arith.constant 3 : i32
        %add3A_384 = arith.addi %mul3A_221, %add3A_383 : i32
        %get3A_385 = arith.index_cast %add3A_384 : i32 to index
        %get3A_386 = arith.constant 16 : index
        %get3A_387 = tpu.vector_load %arg6[%get3A_385, %get3A_386] {strides = array<i32>} : memref<1280x64xf32, #tpu.memory_space<vmem>>, vector<1x16xf32>,
        %get3A_388 = vector.shape_cast %get3A_387 : vector<1x16xf32> to vector<16xf32>
        %add3A_389 = arith.addf %add3A_382, %get3A_388 : vector<16xf32>
        %add3A_390 = arith.constant 4 : i32
        %add3A_391 = arith.addi %mul3A_221, %add3A_390 : i32
        %get3A_392 = arith.index_cast %add3A_391 : i32 to index
        %get3A_393 = arith.constant 16 : index
        %get3A_394 = tpu.vector_load %arg6[%get3A_392, %get3A_393] {strides = array<i32>} : memref<1280x64xf32, #tpu.memory_space<vmem>>, vector<1x16xf32>,
        %get3A_395 = vector.shape_cast %get3A_394 : vector<1x16xf32> to vector<16xf32>
        %add3A_396 = arith.addf %add3A_389, %get3A_395 : vector<16xf32>
        %add3A_397 = arith.constant 5 : i32
        %add3A_398 = arith.addi %mul3A_221, %add3A_397 : i32
        %get3A_399 = arith.index_cast %add3A_398 : i32 to index
        %get3A_400 = arith.constant 16 : index
        %get3A_401 = tpu.vector_load %arg6[%get3A_399, %get3A_400] {strides = array<i32>} : memref<1280x64xf32, #tpu.memory_space<vmem>>, vector<1x16xf32>,
        %get3A_402 = vector.shape_cast %get3A_401 : vector<1x16xf32> to vector<16xf32>
        %add3A_403 = arith.addf %add3A_396, %get3A_402 : vector<16xf32>
        %add3A_404 = arith.constant 6 : i32
        %add3A_405 = arith.addi %mul3A_221, %add3A_404 : i32
        %get3A_406 = arith.index_cast %add3A_405 : i32 to index
        %get3A_407 = arith.constant 16 : index
        %get3A_408 = tpu.vector_load %arg6[%get3A_406, %get3A_407] {strides = array<i32>} : memref<1280x64xf32, #tpu.memory_space<vmem>>, vector<1x16xf32>,
        %get3A_409 = vector.shape_cast %get3A_408 : vector<1x16xf32> to vector<16xf32>
        %add3A_410 = arith.addf %add3A_403, %get3A_409 : vector<16xf32>
        %add3A_411 = arith.constant 7 : i32
        %add3A_412 = arith.addi %mul3A_221, %add3A_411 : i32
        %get3A_413 = arith.index_cast %add3A_412 : i32 to index
        %get3A_414 = arith.constant 16 : index
        %get3A_415 = tpu.vector_load %arg6[%get3A_413, %get3A_414] {strides = array<i32>} : memref<1280x64xf32, #tpu.memory_space<vmem>>, vector<1x16xf32>,
        %get3A_416 = vector.shape_cast %get3A_415 : vector<1x16xf32> to vector<16xf32>
        %add3A_417 = arith.addf %add3A_410, %get3A_416 : vector<16xf32>
        %add3A_418 = arith.constant 8 : i32
        %add3A_419 = arith.addi %mul3A_221, %add3A_418 : i32
        %get3A_420 = arith.index_cast %add3A_419 : i32 to index
        %get3A_421 = arith.constant 16 : index
        %get3A_422 = tpu.vector_load %arg6[%get3A_420, %get3A_421] {strides = array<i32>} : memref<1280x64xf32, #tpu.memory_space<vmem>>, vector<1x16xf32>,
        %get3A_423 = vector.shape_cast %get3A_422 : vector<1x16xf32> to vector<16xf32>
        %add3A_424 = arith.addf %add3A_417, %get3A_423 : vector<16xf32>
        %add3A_425 = arith.constant 9 : i32
        %add3A_426 = arith.addi %mul3A_221, %add3A_425 : i32
        %get3A_427 = arith.index_cast %add3A_426 : i32 to index
        %get3A_428 = arith.constant 16 : index
        %get3A_429 = tpu.vector_load %arg6[%get3A_427, %get3A_428] {strides = array<i32>} : memref<1280x64xf32, #tpu.memory_space<vmem>>, vector<1x16xf32>,
        %get3A_430 = vector.shape_cast %get3A_429 : vector<1x16xf32> to vector<16xf32>
        %add3A_431 = arith.addf %add3A_424, %get3A_430 : vector<16xf32>
        %add3A_432 = arith.constant 10 : i32
        %add3A_433 = arith.addi %mul3A_221, %add3A_432 : i32
        %get3A_434 = arith.index_cast %add3A_433 : i32 to index
        %get3A_435 = arith.constant 16 : index
        %get3A_436 = tpu.vector_load %arg6[%get3A_434, %get3A_435] {strides = array<i32>} : memref<1280x64xf32, #tpu.memory_space<vmem>>, vector<1x16xf32>,
        %get3A_437 = vector.shape_cast %get3A_436 : vector<1x16xf32> to vector<16xf32>
        %add3A_438 = arith.addf %add3A_431, %get3A_437 : vector<16xf32>
        %add3A_439 = arith.constant 11 : i32
        %add3A_440 = arith.addi %mul3A_221, %add3A_439 : i32
        %get3A_441 = arith.index_cast %add3A_440 : i32 to index
        %get3A_442 = arith.constant 16 : index
        %get3A_443 = tpu.vector_load %arg6[%get3A_441, %get3A_442] {strides = array<i32>} : memref<1280x64xf32, #tpu.memory_space<vmem>>, vector<1x16xf32>,
        %get3A_444 = vector.shape_cast %get3A_443 : vector<1x16xf32> to vector<16xf32>
        %add3A_445 = arith.addf %add3A_438, %get3A_444 : vector<16xf32>
        %add3A_446 = arith.constant 12 : i32
        %add3A_447 = arith.addi %mul3A_221, %add3A_446 : i32
        %get3A_448 = arith.index_cast %add3A_447 : i32 to index
        %get3A_449 = arith.constant 16 : index
        %get3A_450 = tpu.vector_load %arg6[%get3A_448, %get3A_449] {strides = array<i32>} : memref<1280x64xf32, #tpu.memory_space<vmem>>, vector<1x16xf32>,
        %get3A_451 = vector.shape_cast %get3A_450 : vector<1x16xf32> to vector<16xf32>
        %add3A_452 = arith.addf %add3A_445, %get3A_451 : vector<16xf32>
        %add3A_453 = arith.constant 13 : i32
        %add3A_454 = arith.addi %mul3A_221, %add3A_453 : i32
        %get3A_455 = arith.index_cast %add3A_454 : i32 to index
        %get3A_456 = arith.constant 16 : index
        %get3A_457 = tpu.vector_load %arg6[%get3A_455, %get3A_456] {strides = array<i32>} : memref<1280x64xf32, #tpu.memory_space<vmem>>, vector<1x16xf32>,
        %get3A_458 = vector.shape_cast %get3A_457 : vector<1x16xf32> to vector<16xf32>
        %add3A_459 = arith.addf %add3A_452, %get3A_458 : vector<16xf32>
        %add3A_460 = arith.constant 14 : i32
        %add3A_461 = arith.addi %mul3A_221, %add3A_460 : i32
        %get3A_462 = arith.index_cast %add3A_461 : i32 to index
        %get3A_463 = arith.constant 16 : index
        %get3A_464 = tpu.vector_load %arg6[%get3A_462, %get3A_463] {strides = array<i32>} : memref<1280x64xf32, #tpu.memory_space<vmem>>, vector<1x16xf32>,
        %get3A_465 = vector.shape_cast %get3A_464 : vector<1x16xf32> to vector<16xf32>
        %add3A_466 = arith.addf %add3A_459, %get3A_465 : vector<16xf32>
        %add3A_467 = arith.constant 15 : i32
        %add3A_468 = arith.addi %mul3A_221, %add3A_467 : i32
        %get3A_469 = arith.index_cast %add3A_468 : i32 to index
        %get3A_470 = arith.constant 16 : index
        %get3A_471 = tpu.vector_load %arg6[%get3A_469, %get3A_470] {strides = array<i32>} : memref<1280x64xf32, #tpu.memory_space<vmem>>, vector<1x16xf32>,
        %get3A_472 = vector.shape_cast %get3A_471 : vector<1x16xf32> to vector<16xf32>
        %add3A_473 = arith.addf %add3A_466, %get3A_472 : vector<16xf32>
        %add3A_474 = arith.constant 16 : i32
        %add3A_475 = arith.addi %mul3A_221, %add3A_474 : i32
        %get3A_476 = arith.index_cast %add3A_475 : i32 to index
        %get3A_477 = arith.constant 16 : index
        %get3A_478 = tpu.vector_load %arg6[%get3A_476, %get3A_477] {strides = array<i32>} : memref<1280x64xf32, #tpu.memory_space<vmem>>, vector<1x16xf32>,
        %get3A_479 = vector.shape_cast %get3A_478 : vector<1x16xf32> to vector<16xf32>
        %add3A_480 = arith.addf %add3A_473, %get3A_479 : vector<16xf32>
        %add3A_481 = arith.constant 17 : i32
        %add3A_482 = arith.addi %mul3A_221, %add3A_481 : i32
        %get3A_483 = arith.index_cast %add3A_482 : i32 to index
        %get3A_484 = arith.constant 16 : index
        %get3A_485 = tpu.vector_load %arg6[%get3A_483, %get3A_484] {strides = array<i32>} : memref<1280x64xf32, #tpu.memory_space<vmem>>, vector<1x16xf32>,
        %get3A_486 = vector.shape_cast %get3A_485 : vector<1x16xf32> to vector<16xf32>
        %add3A_487 = arith.addf %add3A_480, %get3A_486 : vector<16xf32>
        %add3A_488 = arith.constant 18 : i32
        %add3A_489 = arith.addi %mul3A_221, %add3A_488 : i32
        %get3A_490 = arith.index_cast %add3A_489 : i32 to index
        %get3A_491 = arith.constant 16 : index
        %get3A_492 = tpu.vector_load %arg6[%get3A_490, %get3A_491] {strides = array<i32>} : memref<1280x64xf32, #tpu.memory_space<vmem>>, vector<1x16xf32>,
        %get3A_493 = vector.shape_cast %get3A_492 : vector<1x16xf32> to vector<16xf32>
        %add3A_494 = arith.addf %add3A_487, %get3A_493 : vector<16xf32>
        %add3A_495 = arith.constant 19 : i32
        %add3A_496 = arith.addi %mul3A_221, %add3A_495 : i32
        %get3A_497 = arith.index_cast %add3A_496 : i32 to index
        %get3A_498 = arith.constant 16 : index
        %get3A_499 = tpu.vector_load %arg6[%get3A_497, %get3A_498] {strides = array<i32>} : memref<1280x64xf32, #tpu.memory_space<vmem>>, vector<1x16xf32>,
        %get3A_500 = vector.shape_cast %get3A_499 : vector<1x16xf32> to vector<16xf32>
        %add3A_501 = arith.addf %add3A_494, %get3A_500 : vector<16xf32>
        %mul3A_502 = arith.constant 5.000000e-02 : f32
        %mul3A_503 = vector.broadcast %mul3A_502 : f32 to vector<16xf32>
        %mul3A_504 = arith.mulf %add3A_501, %mul3A_503 : vector<16xf32>
        %swap3A_505 = arith.index_cast %scan3A_219 : i32 to index
        %swap3A_506 = arith.constant 16 : index
        %swap3A_507 = tpu.vector_load %arg7[%swap3A_505, %swap3A_506] {strides = array<i32>} : memref<64x64xf32, #tpu.memory_space<vmem>>, vector<1x16xf32>,
        %swap3A_508 = vector.shape_cast %swap3A_507 : vector<1x16xf32> to vector<16xf32>
        %swap3A_509 = vector.shape_cast %mul3A_504 : vector<16xf32> to vector<1x16xf32>
        tpu.vector_store %arg7[%swap3A_505, %swap3A_506], %swap3A_509 {strides = array<i32>} : memref<64x64xf32, #tpu.memory_space<vmem>>, vector<1x16xf32>,
        %get3A_510 = arith.index_cast %mul3A_221 : i32 to index
        %get3A_511 = arith.constant 32 : index
        %get3A_512 = tpu.vector_load %arg6[%get3A_510, %get3A_511] {strides = array<i32>} : memref<1280x64xf32, #tpu.memory_space<vmem>>, vector<1x16xf32>,
        %get3A_513 = vector.shape_cast %get3A_512 : vector<1x16xf32> to vector<16xf32>
        %add3A_514 = arith.constant 1 : i32
        %add3A_515 = arith.addi %mul3A_221, %add3A_514 : i32
        %get3A_516 = arith.index_cast %add3A_515 : i32 to index
        %get3A_517 = arith.constant 32 : index
        %get3A_518 = tpu.vector_load %arg6[%get3A_516, %get3A_517] {strides = array<i32>} : memref<1280x64xf32, #tpu.memory_space<vmem>>, vector<1x16xf32>,
        %get3A_519 = vector.shape_cast %get3A_518 : vector<1x16xf32> to vector<16xf32>
        %add3A_520 = arith.addf %get3A_513, %get3A_519 : vector<16xf32>
        %add3A_521 = arith.constant 2 : i32
        %add3A_522 = arith.addi %mul3A_221, %add3A_521 : i32
        %get3A_523 = arith.index_cast %add3A_522 : i32 to index
        %get3A_524 = arith.constant 32 : index
        %get3A_525 = tpu.vector_load %arg6[%get3A_523, %get3A_524] {strides = array<i32>} : memref<1280x64xf32, #tpu.memory_space<vmem>>, vector<1x16xf32>,
        %get3A_526 = vector.shape_cast %get3A_525 : vector<1x16xf32> to vector<16xf32>
        %add3A_527 = arith.addf %add3A_520, %get3A_526 : vector<16xf32>
        %add3A_528 = arith.constant 3 : i32
        %add3A_529 = arith.addi %mul3A_221, %add3A_528 : i32
        %get3A_530 = arith.index_cast %add3A_529 : i32 to index
        %get3A_531 = arith.constant 32 : index
        %get3A_532 = tpu.vector_load %arg6[%get3A_530, %get3A_531] {strides = array<i32>} : memref<1280x64xf32, #tpu.memory_space<vmem>>, vector<1x16xf32>,
        %get3A_533 = vector.shape_cast %get3A_532 : vector<1x16xf32> to vector<16xf32>
        %add3A_534 = arith.addf %add3A_527, %get3A_533 : vector<16xf32>
        %add3A_535 = arith.constant 4 : i32
        %add3A_536 = arith.addi %mul3A_221, %add3A_535 : i32
        %get3A_537 = arith.index_cast %add3A_536 : i32 to index
        %get3A_538 = arith.constant 32 : index
        %get3A_539 = tpu.vector_load %arg6[%get3A_537, %get3A_538] {strides = array<i32>} : memref<1280x64xf32, #tpu.memory_space<vmem>>, vector<1x16xf32>,
        %get3A_540 = vector.shape_cast %get3A_539 : vector<1x16xf32> to vector<16xf32>
        %add3A_541 = arith.addf %add3A_534, %get3A_540 : vector<16xf32>
        %add3A_542 = arith.constant 5 : i32
        %add3A_543 = arith.addi %mul3A_221, %add3A_542 : i32
        %get3A_544 = arith.index_cast %add3A_543 : i32 to index
        %get3A_545 = arith.constant 32 : index
        %get3A_546 = tpu.vector_load %arg6[%get3A_544, %get3A_545] {strides = array<i32>} : memref<1280x64xf32, #tpu.memory_space<vmem>>, vector<1x16xf32>,
        %get3A_547 = vector.shape_cast %get3A_546 : vector<1x16xf32> to vector<16xf32>
        %add3A_548 = arith.addf %add3A_541, %get3A_547 : vector<16xf32>
        %add3A_549 = arith.constant 6 : i32
        %add3A_550 = arith.addi %mul3A_221, %add3A_549 : i32
        %get3A_551 = arith.index_cast %add3A_550 : i32 to index
        %get3A_552 = arith.constant 32 : index
        %get3A_553 = tpu.vector_load %arg6[%get3A_551, %get3A_552] {strides = array<i32>} : memref<1280x64xf32, #tpu.memory_space<vmem>>, vector<1x16xf32>,
        %get3A_554 = vector.shape_cast %get3A_553 : vector<1x16xf32> to vector<16xf32>
        %add3A_555 = arith.addf %add3A_548, %get3A_554 : vector<16xf32>
        %add3A_556 = arith.constant 7 : i32
        %add3A_557 = arith.addi %mul3A_221, %add3A_556 : i32
        %get3A_558 = arith.index_cast %add3A_557 : i32 to index
        %get3A_559 = arith.constant 32 : index
        %get3A_560 = tpu.vector_load %arg6[%get3A_558, %get3A_559] {strides = array<i32>} : memref<1280x64xf32, #tpu.memory_space<vmem>>, vector<1x16xf32>,
        %get3A_561 = vector.shape_cast %get3A_560 : vector<1x16xf32> to vector<16xf32>
        %add3A_562 = arith.addf %add3A_555, %get3A_561 : vector<16xf32>
        %add3A_563 = arith.constant 8 : i32
        %add3A_564 = arith.addi %mul3A_221, %add3A_563 : i32
        %get3A_565 = arith.index_cast %add3A_564 : i32 to index
        %get3A_566 = arith.constant 32 : index
        %get3A_567 = tpu.vector_load %arg6[%get3A_565, %get3A_566] {strides = array<i32>} : memref<1280x64xf32, #tpu.memory_space<vmem>>, vector<1x16xf32>,
        %get3A_568 = vector.shape_cast %get3A_567 : vector<1x16xf32> to vector<16xf32>
        %add3A_569 = arith.addf %add3A_562, %get3A_568 : vector<16xf32>
        %add3A_570 = arith.constant 9 : i32
        %add3A_571 = arith.addi %mul3A_221, %add3A_570 : i32
        %get3A_572 = arith.index_cast %add3A_571 : i32 to index
        %get3A_573 = arith.constant 32 : index
        %get3A_574 = tpu.vector_load %arg6[%get3A_572, %get3A_573] {strides = array<i32>} : memref<1280x64xf32, #tpu.memory_space<vmem>>, vector<1x16xf32>,
        %get3A_575 = vector.shape_cast %get3A_574 : vector<1x16xf32> to vector<16xf32>
        %add3A_576 = arith.addf %add3A_569, %get3A_575 : vector<16xf32>
        %add3A_577 = arith.constant 10 : i32
        %add3A_578 = arith.addi %mul3A_221, %add3A_577 : i32
        %get3A_579 = arith.index_cast %add3A_578 : i32 to index
        %get3A_580 = arith.constant 32 : index
        %get3A_581 = tpu.vector_load %arg6[%get3A_579, %get3A_580] {strides = array<i32>} : memref<1280x64xf32, #tpu.memory_space<vmem>>, vector<1x16xf32>,
        %get3A_582 = vector.shape_cast %get3A_581 : vector<1x16xf32> to vector<16xf32>
        %add3A_583 = arith.addf %add3A_576, %get3A_582 : vector<16xf32>
        %add3A_584 = arith.constant 11 : i32
        %add3A_585 = arith.addi %mul3A_221, %add3A_584 : i32
        %get3A_586 = arith.index_cast %add3A_585 : i32 to index
        %get3A_587 = arith.constant 32 : index
        %get3A_588 = tpu.vector_load %arg6[%get3A_586, %get3A_587] {strides = array<i32>} : memref<1280x64xf32, #tpu.memory_space<vmem>>, vector<1x16xf32>,
        %get3A_589 = vector.shape_cast %get3A_588 : vector<1x16xf32> to vector<16xf32>
        %add3A_590 = arith.addf %add3A_583, %get3A_589 : vector<16xf32>
        %add3A_591 = arith.constant 12 : i32
        %add3A_592 = arith.addi %mul3A_221, %add3A_591 : i32
        %get3A_593 = arith.index_cast %add3A_592 : i32 to index
        %get3A_594 = arith.constant 32 : index
        %get3A_595 = tpu.vector_load %arg6[%get3A_593, %get3A_594] {strides = array<i32>} : memref<1280x64xf32, #tpu.memory_space<vmem>>, vector<1x16xf32>,
        %get3A_596 = vector.shape_cast %get3A_595 : vector<1x16xf32> to vector<16xf32>
        %add3A_597 = arith.addf %add3A_590, %get3A_596 : vector<16xf32>
        %add3A_598 = arith.constant 13 : i32
        %add3A_599 = arith.addi %mul3A_221, %add3A_598 : i32
        %get3A_600 = arith.index_cast %add3A_599 : i32 to index
        %get3A_601 = arith.constant 32 : index
        %get3A_602 = tpu.vector_load %arg6[%get3A_600, %get3A_601] {strides = array<i32>} : memref<1280x64xf32, #tpu.memory_space<vmem>>, vector<1x16xf32>,
        %get3A_603 = vector.shape_cast %get3A_602 : vector<1x16xf32> to vector<16xf32>
        %add3A_604 = arith.addf %add3A_597, %get3A_603 : vector<16xf32>
        %add3A_605 = arith.constant 14 : i32
        %add3A_606 = arith.addi %mul3A_221, %add3A_605 : i32
        %get3A_607 = arith.index_cast %add3A_606 : i32 to index
        %get3A_608 = arith.constant 32 : index
        %get3A_609 = tpu.vector_load %arg6[%get3A_607, %get3A_608] {strides = array<i32>} : memref<1280x64xf32, #tpu.memory_space<vmem>>, vector<1x16xf32>,
        %get3A_610 = vector.shape_cast %get3A_609 : vector<1x16xf32> to vector<16xf32>
        %add3A_611 = arith.addf %add3A_604, %get3A_610 : vector<16xf32>
        %add3A_612 = arith.constant 15 : i32
        %add3A_613 = arith.addi %mul3A_221, %add3A_612 : i32
        %get3A_614 = arith.index_cast %add3A_613 : i32 to index
        %get3A_615 = arith.constant 32 : index
        %get3A_616 = tpu.vector_load %arg6[%get3A_614, %get3A_615] {strides = array<i32>} : memref<1280x64xf32, #tpu.memory_space<vmem>>, vector<1x16xf32>,
        %get3A_617 = vector.shape_cast %get3A_616 : vector<1x16xf32> to vector<16xf32>
        %add3A_618 = arith.addf %add3A_611, %get3A_617 : vector<16xf32>
        %add3A_619 = arith.constant 16 : i32
        %add3A_620 = arith.addi %mul3A_221, %add3A_619 : i32
        %get3A_621 = arith.index_cast %add3A_620 : i32 to index
        %get3A_622 = arith.constant 32 : index
        %get3A_623 = tpu.vector_load %arg6[%get3A_621, %get3A_622] {strides = array<i32>} : memref<1280x64xf32, #tpu.memory_space<vmem>>, vector<1x16xf32>,
        %get3A_624 = vector.shape_cast %get3A_623 : vector<1x16xf32> to vector<16xf32>
        %add3A_625 = arith.addf %add3A_618, %get3A_624 : vector<16xf32>
        %add3A_626 = arith.constant 17 : i32
        %add3A_627 = arith.addi %mul3A_221, %add3A_626 : i32
        %get3A_628 = arith.index_cast %add3A_627 : i32 to index
        %get3A_629 = arith.constant 32 : index
        %get3A_630 = tpu.vector_load %arg6[%get3A_628, %get3A_629] {strides = array<i32>} : memref<1280x64xf32, #tpu.memory_space<vmem>>, vector<1x16xf32>,
        %get3A_631 = vector.shape_cast %get3A_630 : vector<1x16xf32> to vector<16xf32>
        %add3A_632 = arith.addf %add3A_625, %get3A_631 : vector<16xf32>
        %add3A_633 = arith.constant 18 : i32
        %add3A_634 = arith.addi %mul3A_221, %add3A_633 : i32
        %get3A_635 = arith.index_cast %add3A_634 : i32 to index
        %get3A_636 = arith.constant 32 : index
        %get3A_637 = tpu.vector_load %arg6[%get3A_635, %get3A_636] {strides = array<i32>} : memref<1280x64xf32, #tpu.memory_space<vmem>>, vector<1x16xf32>,
        %get3A_638 = vector.shape_cast %get3A_637 : vector<1x16xf32> to vector<16xf32>
        %add3A_639 = arith.addf %add3A_632, %get3A_638 : vector<16xf32>
        %add3A_640 = arith.constant 19 : i32
        %add3A_641 = arith.addi %mul3A_221, %add3A_640 : i32
        %get3A_642 = arith.index_cast %add3A_641 : i32 to index
        %get3A_643 = arith.constant 32 : index
        %get3A_644 = tpu.vector_load %arg6[%get3A_642, %get3A_643] {strides = array<i32>} : memref<1280x64xf32, #tpu.memory_space<vmem>>, vector<1x16xf32>,
        %get3A_645 = vector.shape_cast %get3A_644 : vector<1x16xf32> to vector<16xf32>
        %add3A_646 = arith.addf %add3A_639, %get3A_645 : vector<16xf32>
        %mul3A_647 = arith.constant 5.000000e-02 : f32
        %mul3A_648 = vector.broadcast %mul3A_647 : f32 to vector<16xf32>
        %mul3A_649 = arith.mulf %add3A_646, %mul3A_648 : vector<16xf32>
        %swap3A_650 = arith.index_cast %scan3A_219 : i32 to index
        %swap3A_651 = arith.constant 32 : index
        %swap3A_652 = tpu.vector_load %arg7[%swap3A_650, %swap3A_651] {strides = array<i32>} : memref<64x64xf32, #tpu.memory_space<vmem>>, vector<1x16xf32>,
        %swap3A_653 = vector.shape_cast %swap3A_652 : vector<1x16xf32> to vector<16xf32>
        %swap3A_654 = vector.shape_cast %mul3A_649 : vector<16xf32> to vector<1x16xf32>
        tpu.vector_store %arg7[%swap3A_650, %swap3A_651], %swap3A_654 {strides = array<i32>} : memref<64x64xf32, #tpu.memory_space<vmem>>, vector<1x16xf32>,
        %get3A_655 = arith.index_cast %mul3A_221 : i32 to index
        %get3A_656 = arith.constant 48 : index
        %get3A_657 = tpu.vector_load %arg6[%get3A_655, %get3A_656] {strides = array<i32>} : memref<1280x64xf32, #tpu.memory_space<vmem>>, vector<1x16xf32>,
        %get3A_658 = vector.shape_cast %get3A_657 : vector<1x16xf32> to vector<16xf32>
        %add3A_659 = arith.constant 1 : i32
        %add3A_660 = arith.addi %mul3A_221, %add3A_659 : i32
        %get3A_661 = arith.index_cast %add3A_660 : i32 to index
        %get3A_662 = arith.constant 48 : index
        %get3A_663 = tpu.vector_load %arg6[%get3A_661, %get3A_662] {strides = array<i32>} : memref<1280x64xf32, #tpu.memory_space<vmem>>, vector<1x16xf32>,
        %get3A_664 = vector.shape_cast %get3A_663 : vector<1x16xf32> to vector<16xf32>
        %add3A_665 = arith.addf %get3A_658, %get3A_664 : vector<16xf32>
        %add3A_666 = arith.constant 2 : i32
        %add3A_667 = arith.addi %mul3A_221, %add3A_666 : i32
        %get3A_668 = arith.index_cast %add3A_667 : i32 to index
        %get3A_669 = arith.constant 48 : index
        %get3A_670 = tpu.vector_load %arg6[%get3A_668, %get3A_669] {strides = array<i32>} : memref<1280x64xf32, #tpu.memory_space<vmem>>, vector<1x16xf32>,
        %get3A_671 = vector.shape_cast %get3A_670 : vector<1x16xf32> to vector<16xf32>
        %add3A_672 = arith.addf %add3A_665, %get3A_671 : vector<16xf32>
        %add3A_673 = arith.constant 3 : i32
        %add3A_674 = arith.addi %mul3A_221, %add3A_673 : i32
        %get3A_675 = arith.index_cast %add3A_674 : i32 to index
        %get3A_676 = arith.constant 48 : index
        %get3A_677 = tpu.vector_load %arg6[%get3A_675, %get3A_676] {strides = array<i32>} : memref<1280x64xf32, #tpu.memory_space<vmem>>, vector<1x16xf32>,
        %get3A_678 = vector.shape_cast %get3A_677 : vector<1x16xf32> to vector<16xf32>
        %add3A_679 = arith.addf %add3A_672, %get3A_678 : vector<16xf32>
        %add3A_680 = arith.constant 4 : i32
        %add3A_681 = arith.addi %mul3A_221, %add3A_680 : i32
        %get3A_682 = arith.index_cast %add3A_681 : i32 to index
        %get3A_683 = arith.constant 48 : index
        %get3A_684 = tpu.vector_load %arg6[%get3A_682, %get3A_683] {strides = array<i32>} : memref<1280x64xf32, #tpu.memory_space<vmem>>, vector<1x16xf32>,
        %get3A_685 = vector.shape_cast %get3A_684 : vector<1x16xf32> to vector<16xf32>
        %add3A_686 = arith.addf %add3A_679, %get3A_685 : vector<16xf32>
        %add3A_687 = arith.constant 5 : i32
        %add3A_688 = arith.addi %mul3A_221, %add3A_687 : i32
        %get3A_689 = arith.index_cast %add3A_688 : i32 to index
        %get3A_690 = arith.constant 48 : index
        %get3A_691 = tpu.vector_load %arg6[%get3A_689, %get3A_690] {strides = array<i32>} : memref<1280x64xf32, #tpu.memory_space<vmem>>, vector<1x16xf32>,
        %get3A_692 = vector.shape_cast %get3A_691 : vector<1x16xf32> to vector<16xf32>
        %add3A_693 = arith.addf %add3A_686, %get3A_692 : vector<16xf32>
        %add3A_694 = arith.constant 6 : i32
        %add3A_695 = arith.addi %mul3A_221, %add3A_694 : i32
        %get3A_696 = arith.index_cast %add3A_695 : i32 to index
        %get3A_697 = arith.constant 48 : index
        %get3A_698 = tpu.vector_load %arg6[%get3A_696, %get3A_697] {strides = array<i32>} : memref<1280x64xf32, #tpu.memory_space<vmem>>, vector<1x16xf32>,
        %get3A_699 = vector.shape_cast %get3A_698 : vector<1x16xf32> to vector<16xf32>
        %add3A_700 = arith.addf %add3A_693, %get3A_699 : vector<16xf32>
        %add3A_701 = arith.constant 7 : i32
        %add3A_702 = arith.addi %mul3A_221, %add3A_701 : i32
        %get3A_703 = arith.index_cast %add3A_702 : i32 to index
        %get3A_704 = arith.constant 48 : index
        %get3A_705 = tpu.vector_load %arg6[%get3A_703, %get3A_704] {strides = array<i32>} : memref<1280x64xf32, #tpu.memory_space<vmem>>, vector<1x16xf32>,
        %get3A_706 = vector.shape_cast %get3A_705 : vector<1x16xf32> to vector<16xf32>
        %add3A_707 = arith.addf %add3A_700, %get3A_706 : vector<16xf32>
        %add3A_708 = arith.constant 8 : i32
        %add3A_709 = arith.addi %mul3A_221, %add3A_708 : i32
        %get3A_710 = arith.index_cast %add3A_709 : i32 to index
        %get3A_711 = arith.constant 48 : index
        %get3A_712 = tpu.vector_load %arg6[%get3A_710, %get3A_711] {strides = array<i32>} : memref<1280x64xf32, #tpu.memory_space<vmem>>, vector<1x16xf32>,
        %get3A_713 = vector.shape_cast %get3A_712 : vector<1x16xf32> to vector<16xf32>
        %add3A_714 = arith.addf %add3A_707, %get3A_713 : vector<16xf32>
        %add3A_715 = arith.constant 9 : i32
        %add3A_716 = arith.addi %mul3A_221, %add3A_715 : i32
        %get3A_717 = arith.index_cast %add3A_716 : i32 to index
        %get3A_718 = arith.constant 48 : index
        %get3A_719 = tpu.vector_load %arg6[%get3A_717, %get3A_718] {strides = array<i32>} : memref<1280x64xf32, #tpu.memory_space<vmem>>, vector<1x16xf32>,
        %get3A_720 = vector.shape_cast %get3A_719 : vector<1x16xf32> to vector<16xf32>
        %add3A_721 = arith.addf %add3A_714, %get3A_720 : vector<16xf32>
        %add3A_722 = arith.constant 10 : i32
        %add3A_723 = arith.addi %mul3A_221, %add3A_722 : i32
        %get3A_724 = arith.index_cast %add3A_723 : i32 to index
        %get3A_725 = arith.constant 48 : index
        %get3A_726 = tpu.vector_load %arg6[%get3A_724, %get3A_725] {strides = array<i32>} : memref<1280x64xf32, #tpu.memory_space<vmem>>, vector<1x16xf32>,
        %get3A_727 = vector.shape_cast %get3A_726 : vector<1x16xf32> to vector<16xf32>
        %add3A_728 = arith.addf %add3A_721, %get3A_727 : vector<16xf32>
        %add3A_729 = arith.constant 11 : i32
        %add3A_730 = arith.addi %mul3A_221, %add3A_729 : i32
        %get3A_731 = arith.index_cast %add3A_730 : i32 to index
        %get3A_732 = arith.constant 48 : index
        %get3A_733 = tpu.vector_load %arg6[%get3A_731, %get3A_732] {strides = array<i32>} : memref<1280x64xf32, #tpu.memory_space<vmem>>, vector<1x16xf32>,
        %get3A_734 = vector.shape_cast %get3A_733 : vector<1x16xf32> to vector<16xf32>
        %add3A_735 = arith.addf %add3A_728, %get3A_734 : vector<16xf32>
        %add3A_736 = arith.constant 12 : i32
        %add3A_737 = arith.addi %mul3A_221, %add3A_736 : i32
        %get3A_738 = arith.index_cast %add3A_737 : i32 to index
        %get3A_739 = arith.constant 48 : index
        %get3A_740 = tpu.vector_load %arg6[%get3A_738, %get3A_739] {strides = array<i32>} : memref<1280x64xf32, #tpu.memory_space<vmem>>, vector<1x16xf32>,
        %get3A_741 = vector.shape_cast %get3A_740 : vector<1x16xf32> to vector<16xf32>
        %add3A_742 = arith.addf %add3A_735, %get3A_741 : vector<16xf32>
        %add3A_743 = arith.constant 13 : i32
        %add3A_744 = arith.addi %mul3A_221, %add3A_743 : i32
        %get3A_745 = arith.index_cast %add3A_744 : i32 to index
        %get3A_746 = arith.constant 48 : index
        %get3A_747 = tpu.vector_load %arg6[%get3A_745, %get3A_746] {strides = array<i32>} : memref<1280x64xf32, #tpu.memory_space<vmem>>, vector<1x16xf32>,
        %get3A_748 = vector.shape_cast %get3A_747 : vector<1x16xf32> to vector<16xf32>
        %add3A_749 = arith.addf %add3A_742, %get3A_748 : vector<16xf32>
        %add3A_750 = arith.constant 14 : i32
        %add3A_751 = arith.addi %mul3A_221, %add3A_750 : i32
        %get3A_752 = arith.index_cast %add3A_751 : i32 to index
        %get3A_753 = arith.constant 48 : index
        %get3A_754 = tpu.vector_load %arg6[%get3A_752, %get3A_753] {strides = array<i32>} : memref<1280x64xf32, #tpu.memory_space<vmem>>, vector<1x16xf32>,
        %get3A_755 = vector.shape_cast %get3A_754 : vector<1x16xf32> to vector<16xf32>
        %add3A_756 = arith.addf %add3A_749, %get3A_755 : vector<16xf32>
        %add3A_757 = arith.constant 15 : i32
        %add3A_758 = arith.addi %mul3A_221, %add3A_757 : i32
        %get3A_759 = arith.index_cast %add3A_758 : i32 to index
        %get3A_760 = arith.constant 48 : index
        %get3A_761 = tpu.vector_load %arg6[%get3A_759, %get3A_760] {strides = array<i32>} : memref<1280x64xf32, #tpu.memory_space<vmem>>, vector<1x16xf32>,
        %get3A_762 = vector.shape_cast %get3A_761 : vector<1x16xf32> to vector<16xf32>
        %add3A_763 = arith.addf %add3A_756, %get3A_762 : vector<16xf32>
        %add3A_764 = arith.constant 16 : i32
        %add3A_765 = arith.addi %mul3A_221, %add3A_764 : i32
        %get3A_766 = arith.index_cast %add3A_765 : i32 to index
        %get3A_767 = arith.constant 48 : index
        %get3A_768 = tpu.vector_load %arg6[%get3A_766, %get3A_767] {strides = array<i32>} : memref<1280x64xf32, #tpu.memory_space<vmem>>, vector<1x16xf32>,
        %get3A_769 = vector.shape_cast %get3A_768 : vector<1x16xf32> to vector<16xf32>
        %add3A_770 = arith.addf %add3A_763, %get3A_769 : vector<16xf32>
        %add3A_771 = arith.constant 17 : i32
        %add3A_772 = arith.addi %mul3A_221, %add3A_771 : i32
        %get3A_773 = arith.index_cast %add3A_772 : i32 to index
        %get3A_774 = arith.constant 48 : index
        %get3A_775 = tpu.vector_load %arg6[%get3A_773, %get3A_774] {strides = array<i32>} : memref<1280x64xf32, #tpu.memory_space<vmem>>, vector<1x16xf32>,
        %get3A_776 = vector.shape_cast %get3A_775 : vector<1x16xf32> to vector<16xf32>
        %add3A_777 = arith.addf %add3A_770, %get3A_776 : vector<16xf32>
        %add3A_778 = arith.constant 18 : i32
        %add3A_779 = arith.addi %mul3A_221, %add3A_778 : i32
        %get3A_780 = arith.index_cast %add3A_779 : i32 to index
        %get3A_781 = arith.constant 48 : index
        %get3A_782 = tpu.vector_load %arg6[%get3A_780, %get3A_781] {strides = array<i32>} : memref<1280x64xf32, #tpu.memory_space<vmem>>, vector<1x16xf32>,
        %get3A_783 = vector.shape_cast %get3A_782 : vector<1x16xf32> to vector<16xf32>
        %add3A_784 = arith.addf %add3A_777, %get3A_783 : vector<16xf32>
        %add3A_785 = arith.constant 19 : i32
        %add3A_786 = arith.addi %mul3A_221, %add3A_785 : i32
        %get3A_787 = arith.index_cast %add3A_786 : i32 to index
        %get3A_788 = arith.constant 48 : index
        %get3A_789 = tpu.vector_load %arg6[%get3A_787, %get3A_788] {strides = array<i32>} : memref<1280x64xf32, #tpu.memory_space<vmem>>, vector<1x16xf32>,
        %get3A_790 = vector.shape_cast %get3A_789 : vector<1x16xf32> to vector<16xf32>
        %add3A_791 = arith.addf %add3A_784, %get3A_790 : vector<16xf32>
        %mul3A_792 = arith.constant 5.000000e-02 : f32
        %mul3A_793 = vector.broadcast %mul3A_792 : f32 to vector<16xf32>
        %mul3A_794 = arith.mulf %add3A_791, %mul3A_793 : vector<16xf32>
        %swap3A_795 = arith.index_cast %scan3A_219 : i32 to index
        %swap3A_796 = arith.constant 48 : index
        %swap3A_797 = tpu.vector_load %arg7[%swap3A_795, %swap3A_796] {strides = array<i32>} : memref<64x64xf32, #tpu.memory_space<vmem>>, vector<1x16xf32>,
        %swap3A_798 = vector.shape_cast %swap3A_797 : vector<1x16xf32> to vector<16xf32>
        %swap3A_799 = vector.shape_cast %mul3A_794 : vector<16xf32> to vector<1x16xf32>
        tpu.vector_store %arg7[%swap3A_795, %swap3A_796], %swap3A_799 {strides = array<i32>} : memref<64x64xf32, #tpu.memory_space<vmem>>, vector<1x16xf32>,
      }
      %scan3A_218 = arith.constant 64 : i32
      "tpu.region"() ({
        %run_scoped3A = tpu.sem_alloc : memref<!tpu.dma_semaphore, #tpu.memory_space<semaphore_mem>>
        %dma_start3A_219 = arith.constant 0 : i32
        %dma_start3A_220 = tpu.memref_slice %arg4[%add3A_11, %dma_start3A_219] : memref<16384x64xf32, #tpu.memory_space<hbm>> -> memref<64x64xf32, #tpu.memory_space<hbm>>
        %dma_start3A_221 = arith.constant 0 : i32
        %dma_start3A_222 = tpu.memref_slice %arg4[%add3A_11, %dma_start3A_221] : memref<16384x64xf32, #tpu.memory_space<hbm>> -> memref<64x64xf32, #tpu.memory_space<hbm>>
        tpu.enqueue_dma source(%arg7 : memref<64x64xf32, #tpu.memory_space<vmem>>) target(%dma_start3A_222 : memref<64x64xf32, #tpu.memory_space<hbm>>) target_semaphore(%run_scoped3A : memref<!tpu.dma_semaphore, #tpu.memory_space<semaphore_mem>>)
        %dma_wait3A_223 = arith.constant 0 : i32
        %dma_wait3A_224 = tpu.memref_slice %arg4[%add3A_11, %dma_wait3A_223] : memref<16384x64xf32, #tpu.memory_space<hbm>> -> memref<64x64xf32, #tpu.memory_space<hbm>>
        %dma_wait3A_225 = arith.constant 0 : i32
        %dma_wait3A_226 = tpu.memref_slice %arg4[%add3A_11, %dma_wait3A_225] : memref<16384x64xf32, #tpu.memory_space<hbm>> -> memref<64x64xf32, #tpu.memory_space<hbm>>
        tpu.wait_dma2 semaphore(%run_scoped3A : memref<!tpu.dma_semaphore, #tpu.memory_space<semaphore_mem>>) src(%arg7 : memref<64x64xf32, #tpu.memory_space<vmem>>) dst(%dma_wait3A_226 : memref<64x64xf32, #tpu.memory_space<hbm>>)
        tpu.yield
      }) : () -> ()
    }
    %scan3A_5 = arith.constant 8 : i32
    return
  }
}

#map = affine_map<(d0, d1) -> (0, 0, 0)>
#map1 = affine_map<(d0, d1) -> (0, 0)>
module attributes {stable_mosaic.version = 14 : i64} {
  func.func @sc_dots(%arg0: i32, %arg1: i32, %arg2: memref<256x3x128xi32, #tpu.memory_space<hbm>>, %arg3: memref<1015808x64xf32, #tpu.memory_space<hbm>>, %arg4: memref<16384x64xf32, #tpu.memory_space<hbm>>, %arg5: memref<16384x96xf32, #tpu.memory_space<hbm>>, %arg6: memref<3x128xi32, #tpu.memory_space<vmem>>, %arg7: memref<384x64xf32, #tpu.memory_space<vmem>>, %arg8: memref<64x64xf32, #tpu.memory_space<vmem>>, %arg9: memref<64x96xf32, #tpu.memory_space<vmem>>, %arg10: memref<!tpu.dma_semaphore, #tpu.memory_space<semaphore_mem>>) attributes {dimension_semantics = [#tpu.dimension_semantics<core_parallel>, #tpu.dimension_semantics<subcore_parallel>], iteration_bounds = array<i64: 2, 16>, scalar_prefetch = 0 : i64, scratch_operands = 5 : i64, tpu.core_type = #tpu.core_type<sc_vector_subcore>, window_params = [{transform_indices = #map}, {transform_indices = #map1}, {transform_indices = #map1}, {transform_indices = #map1}]} {
    %mul3A = arith.constant 2 : i32
    %mul3A_0 = arith.muli %arg1, %mul3A : i32
    %add3A = arith.addi %mul3A_0, %arg0 : i32
    %scan3A = arith.constant 0 : i32
    %scan3A_1 = arith.constant 0 : i32
    %scan3A_2 = arith.constant 8 : i32
    %scan3A_3 = arith.addi %scan3A_1, %scan3A_2 : i32
    %scan3A_4 = arith.constant 1 : i32
    scf.for %scan3A_6 = %scan3A_1 to %scan3A_3 step %scan3A_4  : i32 {
      %mul3A_7 = arith.constant 512 : i32
      %mul3A_8 = arith.muli %add3A, %mul3A_7 : i32
      %mul3A_9 = arith.constant 64 : i32
      %mul3A_10 = arith.muli %scan3A_6, %mul3A_9 : i32
      %add3A_11 = arith.addi %mul3A_8, %mul3A_10 : i32
      %mul3A_12 = arith.constant 8 : i32
      %mul3A_13 = arith.muli %add3A, %mul3A_12 : i32
      %add3A_14 = arith.addi %mul3A_13, %scan3A_6 : i32
      "tpu.region"() ({
        %run_scoped3A = tpu.sem_alloc : memref<!tpu.dma_semaphore, #tpu.memory_space<semaphore_mem>>
        %dma_start3A_87 = arith.constant 0 : i32
        %dma_start3A_88 = arith.constant 0 : i32
        %dma_start3A_89 = tpu.memref_slice %arg2[%add3A_14, %dma_start3A_87, %dma_start3A_88] : memref<256x3x128xi32, #tpu.memory_space<hbm>> -> memref<1x3x128xi32, #tpu.memory_space<hbm>>
        %dma_start3A_90 = tpu.memref_squeeze %dma_start3A_89 : memref<1x3x128xi32, #tpu.memory_space<hbm>> -> memref<3x128xi32, #tpu.memory_space<hbm>>
        %dma_start3A_91 = arith.constant 0 : i32
        %dma_start3A_92 = arith.constant 0 : i32
        %dma_start3A_93 = tpu.memref_slice %arg2[%add3A_14, %dma_start3A_91, %dma_start3A_92] : memref<256x3x128xi32, #tpu.memory_space<hbm>> -> memref<1x3x128xi32, #tpu.memory_space<hbm>>
        %dma_start3A_94 = tpu.memref_squeeze %dma_start3A_93 : memref<1x3x128xi32, #tpu.memory_space<hbm>> -> memref<3x128xi32, #tpu.memory_space<hbm>>
        tpu.enqueue_dma source(%dma_start3A_94 : memref<3x128xi32, #tpu.memory_space<hbm>>) target(%arg6 : memref<3x128xi32, #tpu.memory_space<vmem>>) target_semaphore(%run_scoped3A : memref<!tpu.dma_semaphore, #tpu.memory_space<semaphore_mem>>)
        %dma_wait3A_95 = arith.constant 0 : i32
        %dma_wait3A_96 = arith.constant 0 : i32
        %dma_wait3A_97 = tpu.memref_slice %arg2[%add3A_14, %dma_wait3A_95, %dma_wait3A_96] : memref<256x3x128xi32, #tpu.memory_space<hbm>> -> memref<1x3x128xi32, #tpu.memory_space<hbm>>
        %dma_wait3A_98 = tpu.memref_squeeze %dma_wait3A_97 : memref<1x3x128xi32, #tpu.memory_space<hbm>> -> memref<3x128xi32, #tpu.memory_space<hbm>>
        %dma_wait3A_99 = arith.constant 0 : i32
        %dma_wait3A_100 = arith.constant 0 : i32
        %dma_wait3A_101 = tpu.memref_slice %arg2[%add3A_14, %dma_wait3A_99, %dma_wait3A_100] : memref<256x3x128xi32, #tpu.memory_space<hbm>> -> memref<1x3x128xi32, #tpu.memory_space<hbm>>
        %dma_wait3A_102 = tpu.memref_squeeze %dma_wait3A_101 : memref<1x3x128xi32, #tpu.memory_space<hbm>> -> memref<3x128xi32, #tpu.memory_space<hbm>>
        tpu.wait_dma2 semaphore(%run_scoped3A : memref<!tpu.dma_semaphore, #tpu.memory_space<semaphore_mem>>) src(%dma_wait3A_102 : memref<3x128xi32, #tpu.memory_space<hbm>>) dst(%arg6 : memref<3x128xi32, #tpu.memory_space<vmem>>)
        tpu.yield
      }) : () -> ()
      %dma_start3A = arith.constant 0 : i32
      %dma_start3A_15 = tpu.memref_slice %arg4[%add3A_11, %dma_start3A] : memref<16384x64xf32, #tpu.memory_space<hbm>> -> memref<64x64xf32, #tpu.memory_space<hbm>>
      %dma_start3A_16 = arith.constant 0 : i32
      %dma_start3A_17 = tpu.memref_slice %arg4[%add3A_11, %dma_start3A_16] : memref<16384x64xf32, #tpu.memory_space<hbm>> -> memref<64x64xf32, #tpu.memory_space<hbm>>
      tpu.enqueue_dma source(%dma_start3A_17 : memref<64x64xf32, #tpu.memory_space<hbm>>) target(%arg8 : memref<64x64xf32, #tpu.memory_space<vmem>>) target_semaphore(%arg10 : memref<!tpu.dma_semaphore, #tpu.memory_space<semaphore_mem>>)
      %dma_start3A_18 = arith.constant 0 : i32
      %dma_start3A_19 = arith.constant 0 : i32
      %dma_start3A_20 = arith.constant 0 : i32
      %dma_start3A_21 = tpu.memref_slice %arg7[%dma_start3A_19, %dma_start3A_20] : memref<384x64xf32, #tpu.memory_space<vmem>> -> memref<128x64xf32, #tpu.memory_space<vmem>>
      %dma_start3A_22 = arith.constant 0 : i32
      %dma_start3A_23 = tpu.memref_slice %arg6[%dma_start3A_18, %dma_start3A_22] : memref<3x128xi32, #tpu.memory_space<vmem>> -> memref<1x128xi32, #tpu.memory_space<vmem>>
      %dma_start3A_24 = tpu.memref_squeeze %dma_start3A_23 : memref<1x128xi32, #tpu.memory_space<vmem>> -> memref<128xi32, #tpu.memory_space<vmem>>
      %dma_start3A_25 = arith.constant 0 : i32
      %dma_start3A_26 = arith.constant 0 : i32
      %dma_start3A_27 = tpu.memref_slice %arg3[%dma_start3A_25, %dma_start3A_26] : memref<1015808x64xf32, #tpu.memory_space<hbm>> -> memref<1015808x64xf32, #tpu.memory_space<hbm>>
      tpu.enqueue_indirect_dma source(%dma_start3A_27 : memref<1015808x64xf32, #tpu.memory_space<hbm>>) target(%dma_start3A_21 : memref<128x64xf32, #tpu.memory_space<vmem>>) offsets(%dma_start3A_24 : memref<128xi32, #tpu.memory_space<vmem>>) semaphore(%arg10 : memref<!tpu.dma_semaphore, #tpu.memory_space<semaphore_mem>>)
      %dma_start3A_28 = arith.constant 1 : i32
      %dma_start3A_29 = arith.constant 128 : i32
      %dma_start3A_30 = arith.constant 0 : i32
      %dma_start3A_31 = tpu.memref_slice %arg7[%dma_start3A_29, %dma_start3A_30] : memref<384x64xf32, #tpu.memory_space<vmem>> -> memref<128x64xf32, #tpu.memory_space<vmem>>
      %dma_start3A_32 = arith.constant 0 : i32
      %dma_start3A_33 = tpu.memref_slice %arg6[%dma_start3A_28, %dma_start3A_32] : memref<3x128xi32, #tpu.memory_space<vmem>> -> memref<1x128xi32, #tpu.memory_space<vmem>>
      %dma_start3A_34 = tpu.memref_squeeze %dma_start3A_33 : memref<1x128xi32, #tpu.memory_space<vmem>> -> memref<128xi32, #tpu.memory_space<vmem>>
      %dma_start3A_35 = arith.constant 0 : i32
      %dma_start3A_36 = arith.constant 0 : i32
      %dma_start3A_37 = tpu.memref_slice %arg3[%dma_start3A_35, %dma_start3A_36] : memref<1015808x64xf32, #tpu.memory_space<hbm>> -> memref<1015808x64xf32, #tpu.memory_space<hbm>>
      tpu.enqueue_indirect_dma source(%dma_start3A_37 : memref<1015808x64xf32, #tpu.memory_space<hbm>>) target(%dma_start3A_31 : memref<128x64xf32, #tpu.memory_space<vmem>>) offsets(%dma_start3A_34 : memref<128xi32, #tpu.memory_space<vmem>>) semaphore(%arg10 : memref<!tpu.dma_semaphore, #tpu.memory_space<semaphore_mem>>)
      %dma_start3A_38 = arith.constant 2 : i32
      %dma_start3A_39 = arith.constant 256 : i32
      %dma_start3A_40 = arith.constant 0 : i32
      %dma_start3A_41 = tpu.memref_slice %arg7[%dma_start3A_39, %dma_start3A_40] : memref<384x64xf32, #tpu.memory_space<vmem>> -> memref<128x64xf32, #tpu.memory_space<vmem>>
      %dma_start3A_42 = arith.constant 0 : i32
      %dma_start3A_43 = tpu.memref_slice %arg6[%dma_start3A_38, %dma_start3A_42] : memref<3x128xi32, #tpu.memory_space<vmem>> -> memref<1x128xi32, #tpu.memory_space<vmem>>
      %dma_start3A_44 = tpu.memref_squeeze %dma_start3A_43 : memref<1x128xi32, #tpu.memory_space<vmem>> -> memref<128xi32, #tpu.memory_space<vmem>>
      %dma_start3A_45 = arith.constant 0 : i32
      %dma_start3A_46 = arith.constant 0 : i32
      %dma_start3A_47 = tpu.memref_slice %arg3[%dma_start3A_45, %dma_start3A_46] : memref<1015808x64xf32, #tpu.memory_space<hbm>> -> memref<1015808x64xf32, #tpu.memory_space<hbm>>
      tpu.enqueue_indirect_dma source(%dma_start3A_47 : memref<1015808x64xf32, #tpu.memory_space<hbm>>) target(%dma_start3A_41 : memref<128x64xf32, #tpu.memory_space<vmem>>) offsets(%dma_start3A_44 : memref<128xi32, #tpu.memory_space<vmem>>) semaphore(%arg10 : memref<!tpu.dma_semaphore, #tpu.memory_space<semaphore_mem>>)
      %dma_wait3A = arith.constant 0 : i32
      %dma_wait3A_48 = tpu.memref_slice %arg4[%add3A_11, %dma_wait3A] : memref<16384x64xf32, #tpu.memory_space<hbm>> -> memref<64x64xf32, #tpu.memory_space<hbm>>
      %dma_wait3A_49 = arith.constant 0 : i32
      %dma_wait3A_50 = tpu.memref_slice %arg4[%add3A_11, %dma_wait3A_49] : memref<16384x64xf32, #tpu.memory_space<hbm>> -> memref<64x64xf32, #tpu.memory_space<hbm>>
      tpu.wait_dma2 semaphore(%arg10 : memref<!tpu.dma_semaphore, #tpu.memory_space<semaphore_mem>>) src(%dma_wait3A_50 : memref<64x64xf32, #tpu.memory_space<hbm>>) dst(%arg8 : memref<64x64xf32, #tpu.memory_space<vmem>>)
      %dma_wait3A_51 = arith.constant 0 : i32
      %dma_wait3A_52 = arith.constant 0 : i32
      %dma_wait3A_53 = arith.constant 0 : i32
      %dma_wait3A_54 = tpu.memref_slice %arg7[%dma_wait3A_52, %dma_wait3A_53] : memref<384x64xf32, #tpu.memory_space<vmem>> -> memref<128x64xf32, #tpu.memory_space<vmem>>
      %dma_wait3A_55 = arith.constant 0 : i32
      %dma_wait3A_56 = tpu.memref_slice %arg6[%dma_wait3A_51, %dma_wait3A_55] : memref<3x128xi32, #tpu.memory_space<vmem>> -> memref<1x128xi32, #tpu.memory_space<vmem>>
      %dma_wait3A_57 = tpu.memref_squeeze %dma_wait3A_56 : memref<1x128xi32, #tpu.memory_space<vmem>> -> memref<128xi32, #tpu.memory_space<vmem>>
      %dma_wait3A_58 = arith.constant 0 : i32
      %dma_wait3A_59 = arith.constant 0 : i32
      %dma_wait3A_60 = tpu.memref_slice %arg3[%dma_wait3A_58, %dma_wait3A_59] : memref<1015808x64xf32, #tpu.memory_space<hbm>> -> memref<1015808x64xf32, #tpu.memory_space<hbm>>
      tpu.wait_indirect_dma semaphore(%arg10 : memref<!tpu.dma_semaphore, #tpu.memory_space<semaphore_mem>>) src(%dma_wait3A_60 : memref<1015808x64xf32, #tpu.memory_space<hbm>>) dst(%dma_wait3A_54 : memref<128x64xf32, #tpu.memory_space<vmem>>)
      %dma_wait3A_61 = arith.constant 1 : i32
      %dma_wait3A_62 = arith.constant 128 : i32
      %dma_wait3A_63 = arith.constant 0 : i32
      %dma_wait3A_64 = tpu.memref_slice %arg7[%dma_wait3A_62, %dma_wait3A_63] : memref<384x64xf32, #tpu.memory_space<vmem>> -> memref<128x64xf32, #tpu.memory_space<vmem>>
      %dma_wait3A_65 = arith.constant 0 : i32
      %dma_wait3A_66 = tpu.memref_slice %arg6[%dma_wait3A_61, %dma_wait3A_65] : memref<3x128xi32, #tpu.memory_space<vmem>> -> memref<1x128xi32, #tpu.memory_space<vmem>>
      %dma_wait3A_67 = tpu.memref_squeeze %dma_wait3A_66 : memref<1x128xi32, #tpu.memory_space<vmem>> -> memref<128xi32, #tpu.memory_space<vmem>>
      %dma_wait3A_68 = arith.constant 0 : i32
      %dma_wait3A_69 = arith.constant 0 : i32
      %dma_wait3A_70 = tpu.memref_slice %arg3[%dma_wait3A_68, %dma_wait3A_69] : memref<1015808x64xf32, #tpu.memory_space<hbm>> -> memref<1015808x64xf32, #tpu.memory_space<hbm>>
      tpu.wait_indirect_dma semaphore(%arg10 : memref<!tpu.dma_semaphore, #tpu.memory_space<semaphore_mem>>) src(%dma_wait3A_70 : memref<1015808x64xf32, #tpu.memory_space<hbm>>) dst(%dma_wait3A_64 : memref<128x64xf32, #tpu.memory_space<vmem>>)
      %dma_wait3A_71 = arith.constant 2 : i32
      %dma_wait3A_72 = arith.constant 256 : i32
      %dma_wait3A_73 = arith.constant 0 : i32
      %dma_wait3A_74 = tpu.memref_slice %arg7[%dma_wait3A_72, %dma_wait3A_73] : memref<384x64xf32, #tpu.memory_space<vmem>> -> memref<128x64xf32, #tpu.memory_space<vmem>>
      %dma_wait3A_75 = arith.constant 0 : i32
      %dma_wait3A_76 = tpu.memref_slice %arg6[%dma_wait3A_71, %dma_wait3A_75] : memref<3x128xi32, #tpu.memory_space<vmem>> -> memref<1x128xi32, #tpu.memory_space<vmem>>
      %dma_wait3A_77 = tpu.memref_squeeze %dma_wait3A_76 : memref<1x128xi32, #tpu.memory_space<vmem>> -> memref<128xi32, #tpu.memory_space<vmem>>
      %dma_wait3A_78 = arith.constant 0 : i32
      %dma_wait3A_79 = arith.constant 0 : i32
      %dma_wait3A_80 = tpu.memref_slice %arg3[%dma_wait3A_78, %dma_wait3A_79] : memref<1015808x64xf32, #tpu.memory_space<hbm>> -> memref<1015808x64xf32, #tpu.memory_space<hbm>>
      tpu.wait_indirect_dma semaphore(%arg10 : memref<!tpu.dma_semaphore, #tpu.memory_space<semaphore_mem>>) src(%dma_wait3A_80 : memref<1015808x64xf32, #tpu.memory_space<hbm>>) dst(%dma_wait3A_74 : memref<128x64xf32, #tpu.memory_space<vmem>>)
      %scan3A_81 = arith.constant 0 : i32
      %scan3A_82 = arith.constant 0 : i32
      %scan3A_83 = arith.constant 64 : i32
      %scan3A_84 = arith.addi %scan3A_82, %scan3A_83 : i32
      %scan3A_85 = arith.constant 1 : i32
      scf.for %scan3A_87 = %scan3A_82 to %scan3A_84 step %scan3A_85  : i32 {
        %mul3A_88 = arith.constant 6 : i32
        %mul3A_89 = arith.muli %scan3A_87, %mul3A_88 : i32
        %get3A = arith.index_cast %scan3A_87 : i32 to index
        %get3A_90 = arith.constant 0 : index
        %get3A_91 = tpu.vector_load %arg8[%get3A, %get3A_90] {strides = array<i32>} : memref<64x64xf32, #tpu.memory_space<vmem>>, vector<1x16xf32>,
        %get3A_92 = vector.shape_cast %get3A_91 : vector<1x16xf32> to vector<16xf32>
        %get3A_93 = arith.index_cast %scan3A_87 : i32 to index
        %get3A_94 = arith.constant 16 : index
        %get3A_95 = tpu.vector_load %arg8[%get3A_93, %get3A_94] {strides = array<i32>} : memref<64x64xf32, #tpu.memory_space<vmem>>, vector<1x16xf32>,
        %get3A_96 = vector.shape_cast %get3A_95 : vector<1x16xf32> to vector<16xf32>
        %get3A_97 = arith.index_cast %scan3A_87 : i32 to index
        %get3A_98 = arith.constant 32 : index
        %get3A_99 = tpu.vector_load %arg8[%get3A_97, %get3A_98] {strides = array<i32>} : memref<64x64xf32, #tpu.memory_space<vmem>>, vector<1x16xf32>,
        %get3A_100 = vector.shape_cast %get3A_99 : vector<1x16xf32> to vector<16xf32>
        %get3A_101 = arith.index_cast %scan3A_87 : i32 to index
        %get3A_102 = arith.constant 48 : index
        %get3A_103 = tpu.vector_load %arg8[%get3A_101, %get3A_102] {strides = array<i32>} : memref<64x64xf32, #tpu.memory_space<vmem>>, vector<1x16xf32>,
        %get3A_104 = vector.shape_cast %get3A_103 : vector<1x16xf32> to vector<16xf32>
        %add3A_105 = arith.constant 0 : i32
        %add3A_106 = arith.addi %mul3A_89, %add3A_105 : i32
        %get3A_107 = arith.index_cast %add3A_106 : i32 to index
        %get3A_108 = arith.constant 0 : index
        %get3A_109 = tpu.vector_load %arg7[%get3A_107, %get3A_108] {strides = array<i32>} : memref<384x64xf32, #tpu.memory_space<vmem>>, vector<1x16xf32>,
        %get3A_110 = vector.shape_cast %get3A_109 : vector<1x16xf32> to vector<16xf32>
        %mul3A_111 = arith.mulf %get3A_92, %get3A_110 : vector<16xf32>
        %add3A_112 = arith.constant 0 : i32
        %add3A_113 = arith.addi %mul3A_89, %add3A_112 : i32
        %get3A_114 = arith.index_cast %add3A_113 : i32 to index
        %get3A_115 = arith.constant 16 : index
        %get3A_116 = tpu.vector_load %arg7[%get3A_114, %get3A_115] {strides = array<i32>} : memref<384x64xf32, #tpu.memory_space<vmem>>, vector<1x16xf32>,
        %get3A_117 = vector.shape_cast %get3A_116 : vector<1x16xf32> to vector<16xf32>
        %mul3A_118 = arith.mulf %get3A_96, %get3A_117 : vector<16xf32>
        %add3A_119 = arith.addf %mul3A_111, %mul3A_118 : vector<16xf32>
        %add3A_120 = arith.constant 0 : i32
        %add3A_121 = arith.addi %mul3A_89, %add3A_120 : i32
        %get3A_122 = arith.index_cast %add3A_121 : i32 to index
        %get3A_123 = arith.constant 32 : index
        %get3A_124 = tpu.vector_load %arg7[%get3A_122, %get3A_123] {strides = array<i32>} : memref<384x64xf32, #tpu.memory_space<vmem>>, vector<1x16xf32>,
        %get3A_125 = vector.shape_cast %get3A_124 : vector<1x16xf32> to vector<16xf32>
        %mul3A_126 = arith.mulf %get3A_100, %get3A_125 : vector<16xf32>
        %add3A_127 = arith.addf %add3A_119, %mul3A_126 : vector<16xf32>
        %add3A_128 = arith.constant 0 : i32
        %add3A_129 = arith.addi %mul3A_89, %add3A_128 : i32
        %get3A_130 = arith.index_cast %add3A_129 : i32 to index
        %get3A_131 = arith.constant 48 : index
        %get3A_132 = tpu.vector_load %arg7[%get3A_130, %get3A_131] {strides = array<i32>} : memref<384x64xf32, #tpu.memory_space<vmem>>, vector<1x16xf32>,
        %get3A_133 = vector.shape_cast %get3A_132 : vector<1x16xf32> to vector<16xf32>
        %mul3A_134 = arith.mulf %get3A_104, %get3A_133 : vector<16xf32>
        %add3A_135 = arith.addf %add3A_127, %mul3A_134 : vector<16xf32>
        %swap3A = arith.index_cast %scan3A_87 : i32 to index
        %swap3A_136 = arith.constant 0 : index
        %swap3A_137 = tpu.vector_load %arg9[%swap3A, %swap3A_136] {strides = array<i32>} : memref<64x96xf32, #tpu.memory_space<vmem>>, vector<1x16xf32>,
        %swap3A_138 = vector.shape_cast %swap3A_137 : vector<1x16xf32> to vector<16xf32>
        %swap3A_139 = vector.shape_cast %add3A_135 : vector<16xf32> to vector<1x16xf32>
        tpu.vector_store %arg9[%swap3A, %swap3A_136], %swap3A_139 {strides = array<i32>} : memref<64x96xf32, #tpu.memory_space<vmem>>, vector<1x16xf32>,
        %add3A_140 = arith.constant 1 : i32
        %add3A_141 = arith.addi %mul3A_89, %add3A_140 : i32
        %get3A_142 = arith.index_cast %add3A_141 : i32 to index
        %get3A_143 = arith.constant 0 : index
        %get3A_144 = tpu.vector_load %arg7[%get3A_142, %get3A_143] {strides = array<i32>} : memref<384x64xf32, #tpu.memory_space<vmem>>, vector<1x16xf32>,
        %get3A_145 = vector.shape_cast %get3A_144 : vector<1x16xf32> to vector<16xf32>
        %mul3A_146 = arith.mulf %get3A_92, %get3A_145 : vector<16xf32>
        %add3A_147 = arith.constant 1 : i32
        %add3A_148 = arith.addi %mul3A_89, %add3A_147 : i32
        %get3A_149 = arith.index_cast %add3A_148 : i32 to index
        %get3A_150 = arith.constant 16 : index
        %get3A_151 = tpu.vector_load %arg7[%get3A_149, %get3A_150] {strides = array<i32>} : memref<384x64xf32, #tpu.memory_space<vmem>>, vector<1x16xf32>,
        %get3A_152 = vector.shape_cast %get3A_151 : vector<1x16xf32> to vector<16xf32>
        %mul3A_153 = arith.mulf %get3A_96, %get3A_152 : vector<16xf32>
        %add3A_154 = arith.addf %mul3A_146, %mul3A_153 : vector<16xf32>
        %add3A_155 = arith.constant 1 : i32
        %add3A_156 = arith.addi %mul3A_89, %add3A_155 : i32
        %get3A_157 = arith.index_cast %add3A_156 : i32 to index
        %get3A_158 = arith.constant 32 : index
        %get3A_159 = tpu.vector_load %arg7[%get3A_157, %get3A_158] {strides = array<i32>} : memref<384x64xf32, #tpu.memory_space<vmem>>, vector<1x16xf32>,
        %get3A_160 = vector.shape_cast %get3A_159 : vector<1x16xf32> to vector<16xf32>
        %mul3A_161 = arith.mulf %get3A_100, %get3A_160 : vector<16xf32>
        %add3A_162 = arith.addf %add3A_154, %mul3A_161 : vector<16xf32>
        %add3A_163 = arith.constant 1 : i32
        %add3A_164 = arith.addi %mul3A_89, %add3A_163 : i32
        %get3A_165 = arith.index_cast %add3A_164 : i32 to index
        %get3A_166 = arith.constant 48 : index
        %get3A_167 = tpu.vector_load %arg7[%get3A_165, %get3A_166] {strides = array<i32>} : memref<384x64xf32, #tpu.memory_space<vmem>>, vector<1x16xf32>,
        %get3A_168 = vector.shape_cast %get3A_167 : vector<1x16xf32> to vector<16xf32>
        %mul3A_169 = arith.mulf %get3A_104, %get3A_168 : vector<16xf32>
        %add3A_170 = arith.addf %add3A_162, %mul3A_169 : vector<16xf32>
        %swap3A_171 = arith.index_cast %scan3A_87 : i32 to index
        %swap3A_172 = arith.constant 16 : index
        %swap3A_173 = tpu.vector_load %arg9[%swap3A_171, %swap3A_172] {strides = array<i32>} : memref<64x96xf32, #tpu.memory_space<vmem>>, vector<1x16xf32>,
        %swap3A_174 = vector.shape_cast %swap3A_173 : vector<1x16xf32> to vector<16xf32>
        %swap3A_175 = vector.shape_cast %add3A_170 : vector<16xf32> to vector<1x16xf32>
        tpu.vector_store %arg9[%swap3A_171, %swap3A_172], %swap3A_175 {strides = array<i32>} : memref<64x96xf32, #tpu.memory_space<vmem>>, vector<1x16xf32>,
        %add3A_176 = arith.constant 2 : i32
        %add3A_177 = arith.addi %mul3A_89, %add3A_176 : i32
        %get3A_178 = arith.index_cast %add3A_177 : i32 to index
        %get3A_179 = arith.constant 0 : index
        %get3A_180 = tpu.vector_load %arg7[%get3A_178, %get3A_179] {strides = array<i32>} : memref<384x64xf32, #tpu.memory_space<vmem>>, vector<1x16xf32>,
        %get3A_181 = vector.shape_cast %get3A_180 : vector<1x16xf32> to vector<16xf32>
        %mul3A_182 = arith.mulf %get3A_92, %get3A_181 : vector<16xf32>
        %add3A_183 = arith.constant 2 : i32
        %add3A_184 = arith.addi %mul3A_89, %add3A_183 : i32
        %get3A_185 = arith.index_cast %add3A_184 : i32 to index
        %get3A_186 = arith.constant 16 : index
        %get3A_187 = tpu.vector_load %arg7[%get3A_185, %get3A_186] {strides = array<i32>} : memref<384x64xf32, #tpu.memory_space<vmem>>, vector<1x16xf32>,
        %get3A_188 = vector.shape_cast %get3A_187 : vector<1x16xf32> to vector<16xf32>
        %mul3A_189 = arith.mulf %get3A_96, %get3A_188 : vector<16xf32>
        %add3A_190 = arith.addf %mul3A_182, %mul3A_189 : vector<16xf32>
        %add3A_191 = arith.constant 2 : i32
        %add3A_192 = arith.addi %mul3A_89, %add3A_191 : i32
        %get3A_193 = arith.index_cast %add3A_192 : i32 to index
        %get3A_194 = arith.constant 32 : index
        %get3A_195 = tpu.vector_load %arg7[%get3A_193, %get3A_194] {strides = array<i32>} : memref<384x64xf32, #tpu.memory_space<vmem>>, vector<1x16xf32>,
        %get3A_196 = vector.shape_cast %get3A_195 : vector<1x16xf32> to vector<16xf32>
        %mul3A_197 = arith.mulf %get3A_100, %get3A_196 : vector<16xf32>
        %add3A_198 = arith.addf %add3A_190, %mul3A_197 : vector<16xf32>
        %add3A_199 = arith.constant 2 : i32
        %add3A_200 = arith.addi %mul3A_89, %add3A_199 : i32
        %get3A_201 = arith.index_cast %add3A_200 : i32 to index
        %get3A_202 = arith.constant 48 : index
        %get3A_203 = tpu.vector_load %arg7[%get3A_201, %get3A_202] {strides = array<i32>} : memref<384x64xf32, #tpu.memory_space<vmem>>, vector<1x16xf32>,
        %get3A_204 = vector.shape_cast %get3A_203 : vector<1x16xf32> to vector<16xf32>
        %mul3A_205 = arith.mulf %get3A_104, %get3A_204 : vector<16xf32>
        %add3A_206 = arith.addf %add3A_198, %mul3A_205 : vector<16xf32>
        %swap3A_207 = arith.index_cast %scan3A_87 : i32 to index
        %swap3A_208 = arith.constant 32 : index
        %swap3A_209 = tpu.vector_load %arg9[%swap3A_207, %swap3A_208] {strides = array<i32>} : memref<64x96xf32, #tpu.memory_space<vmem>>, vector<1x16xf32>,
        %swap3A_210 = vector.shape_cast %swap3A_209 : vector<1x16xf32> to vector<16xf32>
        %swap3A_211 = vector.shape_cast %add3A_206 : vector<16xf32> to vector<1x16xf32>
        tpu.vector_store %arg9[%swap3A_207, %swap3A_208], %swap3A_211 {strides = array<i32>} : memref<64x96xf32, #tpu.memory_space<vmem>>, vector<1x16xf32>,
        %add3A_212 = arith.constant 3 : i32
        %add3A_213 = arith.addi %mul3A_89, %add3A_212 : i32
        %get3A_214 = arith.index_cast %add3A_213 : i32 to index
        %get3A_215 = arith.constant 0 : index
        %get3A_216 = tpu.vector_load %arg7[%get3A_214, %get3A_215] {strides = array<i32>} : memref<384x64xf32, #tpu.memory_space<vmem>>, vector<1x16xf32>,
        %get3A_217 = vector.shape_cast %get3A_216 : vector<1x16xf32> to vector<16xf32>
        %mul3A_218 = arith.mulf %get3A_92, %get3A_217 : vector<16xf32>
        %add3A_219 = arith.constant 3 : i32
        %add3A_220 = arith.addi %mul3A_89, %add3A_219 : i32
        %get3A_221 = arith.index_cast %add3A_220 : i32 to index
        %get3A_222 = arith.constant 16 : index
        %get3A_223 = tpu.vector_load %arg7[%get3A_221, %get3A_222] {strides = array<i32>} : memref<384x64xf32, #tpu.memory_space<vmem>>, vector<1x16xf32>,
        %get3A_224 = vector.shape_cast %get3A_223 : vector<1x16xf32> to vector<16xf32>
        %mul3A_225 = arith.mulf %get3A_96, %get3A_224 : vector<16xf32>
        %add3A_226 = arith.addf %mul3A_218, %mul3A_225 : vector<16xf32>
        %add3A_227 = arith.constant 3 : i32
        %add3A_228 = arith.addi %mul3A_89, %add3A_227 : i32
        %get3A_229 = arith.index_cast %add3A_228 : i32 to index
        %get3A_230 = arith.constant 32 : index
        %get3A_231 = tpu.vector_load %arg7[%get3A_229, %get3A_230] {strides = array<i32>} : memref<384x64xf32, #tpu.memory_space<vmem>>, vector<1x16xf32>,
        %get3A_232 = vector.shape_cast %get3A_231 : vector<1x16xf32> to vector<16xf32>
        %mul3A_233 = arith.mulf %get3A_100, %get3A_232 : vector<16xf32>
        %add3A_234 = arith.addf %add3A_226, %mul3A_233 : vector<16xf32>
        %add3A_235 = arith.constant 3 : i32
        %add3A_236 = arith.addi %mul3A_89, %add3A_235 : i32
        %get3A_237 = arith.index_cast %add3A_236 : i32 to index
        %get3A_238 = arith.constant 48 : index
        %get3A_239 = tpu.vector_load %arg7[%get3A_237, %get3A_238] {strides = array<i32>} : memref<384x64xf32, #tpu.memory_space<vmem>>, vector<1x16xf32>,
        %get3A_240 = vector.shape_cast %get3A_239 : vector<1x16xf32> to vector<16xf32>
        %mul3A_241 = arith.mulf %get3A_104, %get3A_240 : vector<16xf32>
        %add3A_242 = arith.addf %add3A_234, %mul3A_241 : vector<16xf32>
        %swap3A_243 = arith.index_cast %scan3A_87 : i32 to index
        %swap3A_244 = arith.constant 48 : index
        %swap3A_245 = tpu.vector_load %arg9[%swap3A_243, %swap3A_244] {strides = array<i32>} : memref<64x96xf32, #tpu.memory_space<vmem>>, vector<1x16xf32>,
        %swap3A_246 = vector.shape_cast %swap3A_245 : vector<1x16xf32> to vector<16xf32>
        %swap3A_247 = vector.shape_cast %add3A_242 : vector<16xf32> to vector<1x16xf32>
        tpu.vector_store %arg9[%swap3A_243, %swap3A_244], %swap3A_247 {strides = array<i32>} : memref<64x96xf32, #tpu.memory_space<vmem>>, vector<1x16xf32>,
        %add3A_248 = arith.constant 4 : i32
        %add3A_249 = arith.addi %mul3A_89, %add3A_248 : i32
        %get3A_250 = arith.index_cast %add3A_249 : i32 to index
        %get3A_251 = arith.constant 0 : index
        %get3A_252 = tpu.vector_load %arg7[%get3A_250, %get3A_251] {strides = array<i32>} : memref<384x64xf32, #tpu.memory_space<vmem>>, vector<1x16xf32>,
        %get3A_253 = vector.shape_cast %get3A_252 : vector<1x16xf32> to vector<16xf32>
        %mul3A_254 = arith.mulf %get3A_92, %get3A_253 : vector<16xf32>
        %add3A_255 = arith.constant 4 : i32
        %add3A_256 = arith.addi %mul3A_89, %add3A_255 : i32
        %get3A_257 = arith.index_cast %add3A_256 : i32 to index
        %get3A_258 = arith.constant 16 : index
        %get3A_259 = tpu.vector_load %arg7[%get3A_257, %get3A_258] {strides = array<i32>} : memref<384x64xf32, #tpu.memory_space<vmem>>, vector<1x16xf32>,
        %get3A_260 = vector.shape_cast %get3A_259 : vector<1x16xf32> to vector<16xf32>
        %mul3A_261 = arith.mulf %get3A_96, %get3A_260 : vector<16xf32>
        %add3A_262 = arith.addf %mul3A_254, %mul3A_261 : vector<16xf32>
        %add3A_263 = arith.constant 4 : i32
        %add3A_264 = arith.addi %mul3A_89, %add3A_263 : i32
        %get3A_265 = arith.index_cast %add3A_264 : i32 to index
        %get3A_266 = arith.constant 32 : index
        %get3A_267 = tpu.vector_load %arg7[%get3A_265, %get3A_266] {strides = array<i32>} : memref<384x64xf32, #tpu.memory_space<vmem>>, vector<1x16xf32>,
        %get3A_268 = vector.shape_cast %get3A_267 : vector<1x16xf32> to vector<16xf32>
        %mul3A_269 = arith.mulf %get3A_100, %get3A_268 : vector<16xf32>
        %add3A_270 = arith.addf %add3A_262, %mul3A_269 : vector<16xf32>
        %add3A_271 = arith.constant 4 : i32
        %add3A_272 = arith.addi %mul3A_89, %add3A_271 : i32
        %get3A_273 = arith.index_cast %add3A_272 : i32 to index
        %get3A_274 = arith.constant 48 : index
        %get3A_275 = tpu.vector_load %arg7[%get3A_273, %get3A_274] {strides = array<i32>} : memref<384x64xf32, #tpu.memory_space<vmem>>, vector<1x16xf32>,
        %get3A_276 = vector.shape_cast %get3A_275 : vector<1x16xf32> to vector<16xf32>
        %mul3A_277 = arith.mulf %get3A_104, %get3A_276 : vector<16xf32>
        %add3A_278 = arith.addf %add3A_270, %mul3A_277 : vector<16xf32>
        %swap3A_279 = arith.index_cast %scan3A_87 : i32 to index
        %swap3A_280 = arith.constant 64 : index
        %swap3A_281 = tpu.vector_load %arg9[%swap3A_279, %swap3A_280] {strides = array<i32>} : memref<64x96xf32, #tpu.memory_space<vmem>>, vector<1x16xf32>,
        %swap3A_282 = vector.shape_cast %swap3A_281 : vector<1x16xf32> to vector<16xf32>
        %swap3A_283 = vector.shape_cast %add3A_278 : vector<16xf32> to vector<1x16xf32>
        tpu.vector_store %arg9[%swap3A_279, %swap3A_280], %swap3A_283 {strides = array<i32>} : memref<64x96xf32, #tpu.memory_space<vmem>>, vector<1x16xf32>,
        %add3A_284 = arith.constant 5 : i32
        %add3A_285 = arith.addi %mul3A_89, %add3A_284 : i32
        %get3A_286 = arith.index_cast %add3A_285 : i32 to index
        %get3A_287 = arith.constant 0 : index
        %get3A_288 = tpu.vector_load %arg7[%get3A_286, %get3A_287] {strides = array<i32>} : memref<384x64xf32, #tpu.memory_space<vmem>>, vector<1x16xf32>,
        %get3A_289 = vector.shape_cast %get3A_288 : vector<1x16xf32> to vector<16xf32>
        %mul3A_290 = arith.mulf %get3A_92, %get3A_289 : vector<16xf32>
        %add3A_291 = arith.constant 5 : i32
        %add3A_292 = arith.addi %mul3A_89, %add3A_291 : i32
        %get3A_293 = arith.index_cast %add3A_292 : i32 to index
        %get3A_294 = arith.constant 16 : index
        %get3A_295 = tpu.vector_load %arg7[%get3A_293, %get3A_294] {strides = array<i32>} : memref<384x64xf32, #tpu.memory_space<vmem>>, vector<1x16xf32>,
        %get3A_296 = vector.shape_cast %get3A_295 : vector<1x16xf32> to vector<16xf32>
        %mul3A_297 = arith.mulf %get3A_96, %get3A_296 : vector<16xf32>
        %add3A_298 = arith.addf %mul3A_290, %mul3A_297 : vector<16xf32>
        %add3A_299 = arith.constant 5 : i32
        %add3A_300 = arith.addi %mul3A_89, %add3A_299 : i32
        %get3A_301 = arith.index_cast %add3A_300 : i32 to index
        %get3A_302 = arith.constant 32 : index
        %get3A_303 = tpu.vector_load %arg7[%get3A_301, %get3A_302] {strides = array<i32>} : memref<384x64xf32, #tpu.memory_space<vmem>>, vector<1x16xf32>,
        %get3A_304 = vector.shape_cast %get3A_303 : vector<1x16xf32> to vector<16xf32>
        %mul3A_305 = arith.mulf %get3A_100, %get3A_304 : vector<16xf32>
        %add3A_306 = arith.addf %add3A_298, %mul3A_305 : vector<16xf32>
        %add3A_307 = arith.constant 5 : i32
        %add3A_308 = arith.addi %mul3A_89, %add3A_307 : i32
        %get3A_309 = arith.index_cast %add3A_308 : i32 to index
        %get3A_310 = arith.constant 48 : index
        %get3A_311 = tpu.vector_load %arg7[%get3A_309, %get3A_310] {strides = array<i32>} : memref<384x64xf32, #tpu.memory_space<vmem>>, vector<1x16xf32>,
        %get3A_312 = vector.shape_cast %get3A_311 : vector<1x16xf32> to vector<16xf32>
        %mul3A_313 = arith.mulf %get3A_104, %get3A_312 : vector<16xf32>
        %add3A_314 = arith.addf %add3A_306, %mul3A_313 : vector<16xf32>
        %swap3A_315 = arith.index_cast %scan3A_87 : i32 to index
        %swap3A_316 = arith.constant 80 : index
        %swap3A_317 = tpu.vector_load %arg9[%swap3A_315, %swap3A_316] {strides = array<i32>} : memref<64x96xf32, #tpu.memory_space<vmem>>, vector<1x16xf32>,
        %swap3A_318 = vector.shape_cast %swap3A_317 : vector<1x16xf32> to vector<16xf32>
        %swap3A_319 = vector.shape_cast %add3A_314 : vector<16xf32> to vector<1x16xf32>
        tpu.vector_store %arg9[%swap3A_315, %swap3A_316], %swap3A_319 {strides = array<i32>} : memref<64x96xf32, #tpu.memory_space<vmem>>, vector<1x16xf32>,
      }
      %scan3A_86 = arith.constant 64 : i32
      "tpu.region"() ({
        %run_scoped3A = tpu.sem_alloc : memref<!tpu.dma_semaphore, #tpu.memory_space<semaphore_mem>>
        %dma_start3A_87 = arith.constant 0 : i32
        %dma_start3A_88 = tpu.memref_slice %arg5[%add3A_11, %dma_start3A_87] : memref<16384x96xf32, #tpu.memory_space<hbm>> -> memref<64x96xf32, #tpu.memory_space<hbm>>
        %dma_start3A_89 = arith.constant 0 : i32
        %dma_start3A_90 = tpu.memref_slice %arg5[%add3A_11, %dma_start3A_89] : memref<16384x96xf32, #tpu.memory_space<hbm>> -> memref<64x96xf32, #tpu.memory_space<hbm>>
        tpu.enqueue_dma source(%arg9 : memref<64x96xf32, #tpu.memory_space<vmem>>) target(%dma_start3A_90 : memref<64x96xf32, #tpu.memory_space<hbm>>) target_semaphore(%run_scoped3A : memref<!tpu.dma_semaphore, #tpu.memory_space<semaphore_mem>>)
        %dma_wait3A_91 = arith.constant 0 : i32
        %dma_wait3A_92 = tpu.memref_slice %arg5[%add3A_11, %dma_wait3A_91] : memref<16384x96xf32, #tpu.memory_space<hbm>> -> memref<64x96xf32, #tpu.memory_space<hbm>>
        %dma_wait3A_93 = arith.constant 0 : i32
        %dma_wait3A_94 = tpu.memref_slice %arg5[%add3A_11, %dma_wait3A_93] : memref<16384x96xf32, #tpu.memory_space<hbm>> -> memref<64x96xf32, #tpu.memory_space<hbm>>
        tpu.wait_dma2 semaphore(%run_scoped3A : memref<!tpu.dma_semaphore, #tpu.memory_space<semaphore_mem>>) src(%arg9 : memref<64x96xf32, #tpu.memory_space<vmem>>) dst(%dma_wait3A_94 : memref<64x96xf32, #tpu.memory_space<hbm>>)
        tpu.yield
      }) : () -> ()
    }
    %scan3A_5 = arith.constant 8 : i32
    return
  }
}

module attributes {stable_mosaic.version = 14 : i64} {
  func.func @_tc_relayout_body(%arg0: i32, %arg1: memref<64x16384xf32, #tpu.memory_space<vmem>>, %arg2: memref<8192x128xf32, #tpu.memory_space<vmem>>) attributes {dimension_semantics = [#tpu.dimension_semantics<arbitrary>], iteration_bounds = array<i64: 62>, scalar_prefetch = 0 : i64, scratch_operands = 0 : i64, tpu.core_type = #tpu.core_type<tc>, window_params = [{transform_indices = @transform_0, window_bounds = array<i64: 64, 16384>}, {transform_indices = @transform_1, window_bounds = array<i64: 8192, 128>}]} {
    %get3A = arith.constant 0 : index
    %get3A_0 = arith.constant 0 : index
    %get3A_1 = vector.load %arg1[%get3A, %get3A_0] : memref<64x16384xf32, #tpu.memory_space<vmem>>, vector<64x16384xf32>
    %iota3A = tpu.iota {dimensions = array<i32: 0>} : vector<64x64xi32>
    %iota3A_2 = tpu.iota {dimensions = array<i32: 1>} : vector<64x64xi32>
    %eq3A = arith.cmpi eq, %iota3A, %iota3A_2 : vector<64x64xi32>
    %convert_element_type3A = arith.extui %eq3A : vector<64x64xi1> to vector<64x64xi32>
    %convert_element_type3A_3 = arith.sitofp %convert_element_type3A : vector<64x64xi32> to vector<64x64xf32>
    %dot_general3A = arith.constant dense<0.000000e+00> : vector<16384x64xf32>
    %dot_general3A_4 = tpu.matmul %get3A_1, %convert_element_type3A_3, %dot_general3A {dimension_numbers = #tpu.dot_dimension_numbers<[0], [0], [1], [1], [0, 1, 1, 1], [], []>, transpose_lhs_hint = false} : vector<64x16384xf32>, vector<64x64xf32>, vector<16384x64xf32> -> vector<16384x64xf32>
    %slice3A = vector.extract_strided_slice %dot_general3A_4 {offsets = [0, 0], sizes = [8192, 64], strides = [1, 1]} : vector<16384x64xf32> to vector<8192x64xf32>
    %slice3A_5 = vector.extract_strided_slice %dot_general3A_4 {offsets = [8192, 0], sizes = [8192, 64], strides = [1, 1]} : vector<16384x64xf32> to vector<8192x64xf32>
    %concatenate3A = tpu.concatenate %slice3A, %slice3A_5 in 1 : vector<8192x64xf32>, vector<8192x64xf32> -> vector<8192x128xf32>
    %swap3A = arith.constant 0 : index
    %swap3A_6 = arith.constant 0 : index
    %swap3A_7 = vector.load %arg2[%swap3A, %swap3A_6] : memref<8192x128xf32, #tpu.memory_space<vmem>>, vector<8192x128xf32>
    tpu.vector_store %arg2[%swap3A, %swap3A_6], %concatenate3A {strides = array<i32>} : memref<8192x128xf32, #tpu.memory_space<vmem>>, vector<8192x128xf32>,
    return
  }
  func.func @transform_0(%arg0: i32) -> (i32, i32) {
    %c0_i32 = arith.constant 0 : i32
    %c0_i32_0 = arith.constant 0 : i32
    return %c0_i32, %arg0 : i32, i32
  }
  func.func @transform_1(%arg0: i32) -> (i32, i32) {
    %c0_i32 = arith.constant 0 : i32
    %c0_i32_0 = arith.constant 0 : i32
    return %arg0, %c0_i32 : i32, i32
  }
}

module attributes {stable_mosaic.version = 14 : i64} {
  func.func @_tc_loss_body(%arg0: i32, %arg1: memref<2048x96xf32, #tpu.memory_space<vmem>>, %arg2: memref<1x1xf32, #tpu.memory_space<smem>>) attributes {dimension_semantics = [#tpu.dimension_semantics<arbitrary>], iteration_bounds = array<i64: 8>, scalar_prefetch = 0 : i64, scratch_operands = 0 : i64, tpu.core_type = #tpu.core_type<tc>, window_params = [{transform_indices = @transform_0, window_bounds = array<i64: 2048, 96>}, {transform_indices = @transform_1, window_bounds = array<i64: 1, 1>}]} {
    %eq3A = arith.constant 0 : i32
    %eq3A_0 = arith.cmpi eq, %arg0, %eq3A : i32
    %convert_element_type3A = arith.extui %eq3A_0 : i1 to i32
    %cond3A = arith.constant 0 : i32
    %cond3A_1 = arith.cmpi ne, %convert_element_type3A, %cond3A : i32
    scf.if %cond3A_1 {
      %swap3A_134 = arith.constant 0.000000e+00 : f32
      %swap3A_135 = arith.constant 0 : index
      %swap3A_136 = arith.constant 0 : index
      %swap3A_137 = memref.load %arg2[%swap3A_135, %swap3A_136] : memref<1x1xf32, #tpu.memory_space<smem>>
      memref.store %swap3A_134, %arg2[%swap3A_135, %swap3A_136] : memref<1x1xf32, #tpu.memory_space<smem>>
    } else {
    }
    %get3A = arith.constant 0 : index
    %get3A_2 = arith.constant 0 : index
    %get3A_3 = vector.load %arg1[%get3A, %get3A_2] : memref<2048x96xf32, #tpu.memory_space<vmem>>, vector<2048x96xf32>
    %slice3A = vector.extract_strided_slice %get3A_3 {offsets = [0, 0], sizes = [2048, 16], strides = [1, 1]} : vector<2048x96xf32> to vector<2048x16xf32>
    %reduce_sum3A = arith.constant dense<0.000000e+00> : vector<2048xf32>
    %reduce_sum3A_4 = vector.multi_reduction <add>, %slice3A, %reduce_sum3A [1] : vector<2048x16xf32> to vector<2048xf32>
    %min3A = arith.constant 0.000000e+00 : f32
    %min3A_5 = vector.broadcast %min3A : f32 to vector<2048xf32>
    %min3A_6 = arith.minimumf %reduce_sum3A_4, %min3A_5 : vector<2048xf32>
    %abs3A = math.absf %reduce_sum3A_4 : vector<2048xf32>
    %neg3A = arith.constant 0.000000e+00 : f32
    %neg3A_7 = vector.broadcast %neg3A : f32 to vector<2048xf32>
    %neg3A_8 = arith.subf %neg3A_7, %abs3A : vector<2048xf32>
    %exp3A = math.exp %neg3A_8 : vector<2048xf32>
    %add3A = arith.constant 1.000000e+00 : f32
    %add3A_9 = vector.broadcast %add3A : f32 to vector<2048xf32>
    %add3A_10 = arith.addf %add3A_9, %exp3A : vector<2048xf32>
    %log3A = math.log %add3A_10 : vector<2048xf32>
    %sub3A = arith.subf %min3A_6, %log3A : vector<2048xf32>
    %reduce_sum3A_11 = vector.shape_cast %sub3A : vector<2048xf32> to vector<1x2048xf32>
    %reduce_sum3A_12 = arith.constant dense<0.000000e+00> : vector<1xf32>
    %reduce_sum3A_13 = vector.multi_reduction <add>, %reduce_sum3A_11, %reduce_sum3A_12 [1] : vector<1x2048xf32> to vector<1xf32>
    %reduce_sum3A_14 = vector.shape_cast %reduce_sum3A_13 : vector<1xf32> to vector<1x1xf32>
    %reduce_sum3A_15 = vector.extract %reduce_sum3A_14[0, 0] : f32 from vector<1x1xf32>
    %add3A_16 = arith.constant 0.000000e+00 : f32
    %add3A_17 = arith.addf %add3A_16, %reduce_sum3A_15 : f32
    %slice3A_18 = vector.extract_strided_slice %get3A_3 {offsets = [0, 16], sizes = [2048, 16], strides = [1, 1]} : vector<2048x96xf32> to vector<2048x16xf32>
    %reduce_sum3A_19 = arith.constant dense<0.000000e+00> : vector<2048xf32>
    %reduce_sum3A_20 = vector.multi_reduction <add>, %slice3A_18, %reduce_sum3A_19 [1] : vector<2048x16xf32> to vector<2048xf32>
    %min3A_21 = arith.constant 0.000000e+00 : f32
    %min3A_22 = vector.broadcast %min3A_21 : f32 to vector<2048xf32>
    %min3A_23 = arith.minimumf %reduce_sum3A_20, %min3A_22 : vector<2048xf32>
    %abs3A_24 = math.absf %reduce_sum3A_20 : vector<2048xf32>
    %neg3A_25 = arith.constant 0.000000e+00 : f32
    %neg3A_26 = vector.broadcast %neg3A_25 : f32 to vector<2048xf32>
    %neg3A_27 = arith.subf %neg3A_26, %abs3A_24 : vector<2048xf32>
    %exp3A_28 = math.exp %neg3A_27 : vector<2048xf32>
    %add3A_29 = arith.constant 1.000000e+00 : f32
    %add3A_30 = vector.broadcast %add3A_29 : f32 to vector<2048xf32>
    %add3A_31 = arith.addf %add3A_30, %exp3A_28 : vector<2048xf32>
    %log3A_32 = math.log %add3A_31 : vector<2048xf32>
    %sub3A_33 = arith.subf %min3A_23, %log3A_32 : vector<2048xf32>
    %reduce_sum3A_34 = vector.shape_cast %sub3A_33 : vector<2048xf32> to vector<1x2048xf32>
    %reduce_sum3A_35 = arith.constant dense<0.000000e+00> : vector<1xf32>
    %reduce_sum3A_36 = vector.multi_reduction <add>, %reduce_sum3A_34, %reduce_sum3A_35 [1] : vector<1x2048xf32> to vector<1xf32>
    %reduce_sum3A_37 = vector.shape_cast %reduce_sum3A_36 : vector<1xf32> to vector<1x1xf32>
    %reduce_sum3A_38 = vector.extract %reduce_sum3A_37[0, 0] : f32 from vector<1x1xf32>
    %add3A_39 = arith.addf %add3A_17, %reduce_sum3A_38 : f32
    %slice3A_40 = vector.extract_strided_slice %get3A_3 {offsets = [0, 32], sizes = [2048, 16], strides = [1, 1]} : vector<2048x96xf32> to vector<2048x16xf32>
    %reduce_sum3A_41 = arith.constant dense<0.000000e+00> : vector<2048xf32>
    %reduce_sum3A_42 = vector.multi_reduction <add>, %slice3A_40, %reduce_sum3A_41 [1] : vector<2048x16xf32> to vector<2048xf32>
    %min3A_43 = arith.constant 0.000000e+00 : f32
    %min3A_44 = vector.broadcast %min3A_43 : f32 to vector<2048xf32>
    %min3A_45 = arith.minimumf %reduce_sum3A_42, %min3A_44 : vector<2048xf32>
    %abs3A_46 = math.absf %reduce_sum3A_42 : vector<2048xf32>
    %neg3A_47 = arith.constant 0.000000e+00 : f32
    %neg3A_48 = vector.broadcast %neg3A_47 : f32 to vector<2048xf32>
    %neg3A_49 = arith.subf %neg3A_48, %abs3A_46 : vector<2048xf32>
    %exp3A_50 = math.exp %neg3A_49 : vector<2048xf32>
    %add3A_51 = arith.constant 1.000000e+00 : f32
    %add3A_52 = vector.broadcast %add3A_51 : f32 to vector<2048xf32>
    %add3A_53 = arith.addf %add3A_52, %exp3A_50 : vector<2048xf32>
    %log3A_54 = math.log %add3A_53 : vector<2048xf32>
    %sub3A_55 = arith.subf %min3A_45, %log3A_54 : vector<2048xf32>
    %reduce_sum3A_56 = vector.shape_cast %sub3A_55 : vector<2048xf32> to vector<1x2048xf32>
    %reduce_sum3A_57 = arith.constant dense<0.000000e+00> : vector<1xf32>
    %reduce_sum3A_58 = vector.multi_reduction <add>, %reduce_sum3A_56, %reduce_sum3A_57 [1] : vector<1x2048xf32> to vector<1xf32>
    %reduce_sum3A_59 = vector.shape_cast %reduce_sum3A_58 : vector<1xf32> to vector<1x1xf32>
    %reduce_sum3A_60 = vector.extract %reduce_sum3A_59[0, 0] : f32 from vector<1x1xf32>
    %add3A_61 = arith.addf %add3A_39, %reduce_sum3A_60 : f32
    %slice3A_62 = vector.extract_strided_slice %get3A_3 {offsets = [0, 48], sizes = [2048, 16], strides = [1, 1]} : vector<2048x96xf32> to vector<2048x16xf32>
    %reduce_sum3A_63 = arith.constant dense<0.000000e+00> : vector<2048xf32>
    %reduce_sum3A_64 = vector.multi_reduction <add>, %slice3A_62, %reduce_sum3A_63 [1] : vector<2048x16xf32> to vector<2048xf32>
    %min3A_65 = arith.constant 0.000000e+00 : f32
    %min3A_66 = vector.broadcast %min3A_65 : f32 to vector<2048xf32>
    %min3A_67 = arith.minimumf %reduce_sum3A_64, %min3A_66 : vector<2048xf32>
    %abs3A_68 = math.absf %reduce_sum3A_64 : vector<2048xf32>
    %neg3A_69 = arith.constant 0.000000e+00 : f32
    %neg3A_70 = vector.broadcast %neg3A_69 : f32 to vector<2048xf32>
    %neg3A_71 = arith.subf %neg3A_70, %abs3A_68 : vector<2048xf32>
    %exp3A_72 = math.exp %neg3A_71 : vector<2048xf32>
    %add3A_73 = arith.constant 1.000000e+00 : f32
    %add3A_74 = vector.broadcast %add3A_73 : f32 to vector<2048xf32>
    %add3A_75 = arith.addf %add3A_74, %exp3A_72 : vector<2048xf32>
    %log3A_76 = math.log %add3A_75 : vector<2048xf32>
    %sub3A_77 = arith.subf %min3A_67, %log3A_76 : vector<2048xf32>
    %reduce_sum3A_78 = vector.shape_cast %sub3A_77 : vector<2048xf32> to vector<1x2048xf32>
    %reduce_sum3A_79 = arith.constant dense<0.000000e+00> : vector<1xf32>
    %reduce_sum3A_80 = vector.multi_reduction <add>, %reduce_sum3A_78, %reduce_sum3A_79 [1] : vector<1x2048xf32> to vector<1xf32>
    %reduce_sum3A_81 = vector.shape_cast %reduce_sum3A_80 : vector<1xf32> to vector<1x1xf32>
    %reduce_sum3A_82 = vector.extract %reduce_sum3A_81[0, 0] : f32 from vector<1x1xf32>
    %add3A_83 = arith.addf %add3A_61, %reduce_sum3A_82 : f32
    %slice3A_84 = vector.extract_strided_slice %get3A_3 {offsets = [0, 64], sizes = [2048, 16], strides = [1, 1]} : vector<2048x96xf32> to vector<2048x16xf32>
    %reduce_sum3A_85 = arith.constant dense<0.000000e+00> : vector<2048xf32>
    %reduce_sum3A_86 = vector.multi_reduction <add>, %slice3A_84, %reduce_sum3A_85 [1] : vector<2048x16xf32> to vector<2048xf32>
    %min3A_87 = arith.constant 0.000000e+00 : f32
    %min3A_88 = vector.broadcast %min3A_87 : f32 to vector<2048xf32>
    %min3A_89 = arith.minimumf %reduce_sum3A_86, %min3A_88 : vector<2048xf32>
    %abs3A_90 = math.absf %reduce_sum3A_86 : vector<2048xf32>
    %neg3A_91 = arith.constant 0.000000e+00 : f32
    %neg3A_92 = vector.broadcast %neg3A_91 : f32 to vector<2048xf32>
    %neg3A_93 = arith.subf %neg3A_92, %abs3A_90 : vector<2048xf32>
    %exp3A_94 = math.exp %neg3A_93 : vector<2048xf32>
    %add3A_95 = arith.constant 1.000000e+00 : f32
    %add3A_96 = vector.broadcast %add3A_95 : f32 to vector<2048xf32>
    %add3A_97 = arith.addf %add3A_96, %exp3A_94 : vector<2048xf32>
    %log3A_98 = math.log %add3A_97 : vector<2048xf32>
    %sub3A_99 = arith.subf %min3A_89, %log3A_98 : vector<2048xf32>
    %reduce_sum3A_100 = vector.shape_cast %sub3A_99 : vector<2048xf32> to vector<1x2048xf32>
    %reduce_sum3A_101 = arith.constant dense<0.000000e+00> : vector<1xf32>
    %reduce_sum3A_102 = vector.multi_reduction <add>, %reduce_sum3A_100, %reduce_sum3A_101 [1] : vector<1x2048xf32> to vector<1xf32>
    %reduce_sum3A_103 = vector.shape_cast %reduce_sum3A_102 : vector<1xf32> to vector<1x1xf32>
    %reduce_sum3A_104 = vector.extract %reduce_sum3A_103[0, 0] : f32 from vector<1x1xf32>
    %add3A_105 = arith.addf %add3A_83, %reduce_sum3A_104 : f32
    %slice3A_106 = vector.extract_strided_slice %get3A_3 {offsets = [0, 80], sizes = [2048, 16], strides = [1, 1]} : vector<2048x96xf32> to vector<2048x16xf32>
    %reduce_sum3A_107 = arith.constant dense<0.000000e+00> : vector<2048xf32>
    %reduce_sum3A_108 = vector.multi_reduction <add>, %slice3A_106, %reduce_sum3A_107 [1] : vector<2048x16xf32> to vector<2048xf32>
    %min3A_109 = arith.constant 0.000000e+00 : f32
    %min3A_110 = vector.broadcast %min3A_109 : f32 to vector<2048xf32>
    %min3A_111 = arith.minimumf %reduce_sum3A_108, %min3A_110 : vector<2048xf32>
    %abs3A_112 = math.absf %reduce_sum3A_108 : vector<2048xf32>
    %neg3A_113 = arith.constant 0.000000e+00 : f32
    %neg3A_114 = vector.broadcast %neg3A_113 : f32 to vector<2048xf32>
    %neg3A_115 = arith.subf %neg3A_114, %abs3A_112 : vector<2048xf32>
    %exp3A_116 = math.exp %neg3A_115 : vector<2048xf32>
    %add3A_117 = arith.constant 1.000000e+00 : f32
    %add3A_118 = vector.broadcast %add3A_117 : f32 to vector<2048xf32>
    %add3A_119 = arith.addf %add3A_118, %exp3A_116 : vector<2048xf32>
    %log3A_120 = math.log %add3A_119 : vector<2048xf32>
    %sub3A_121 = arith.subf %min3A_111, %log3A_120 : vector<2048xf32>
    %reduce_sum3A_122 = vector.shape_cast %sub3A_121 : vector<2048xf32> to vector<1x2048xf32>
    %reduce_sum3A_123 = arith.constant dense<0.000000e+00> : vector<1xf32>
    %reduce_sum3A_124 = vector.multi_reduction <add>, %reduce_sum3A_122, %reduce_sum3A_123 [1] : vector<1x2048xf32> to vector<1xf32>
    %reduce_sum3A_125 = vector.shape_cast %reduce_sum3A_124 : vector<1xf32> to vector<1x1xf32>
    %reduce_sum3A_126 = vector.extract %reduce_sum3A_125[0, 0] : f32 from vector<1x1xf32>
    %add3A_127 = arith.addf %add3A_105, %reduce_sum3A_126 : f32
    %get3A_128 = arith.constant 0 : index
    %get3A_129 = arith.constant 0 : index
    %get3A_130 = memref.load %arg2[%get3A_128, %get3A_129] : memref<1x1xf32, #tpu.memory_space<smem>>
    %add3A_131 = arith.addf %get3A_130, %add3A_127 : f32
    %swap3A = arith.constant 0 : index
    %swap3A_132 = arith.constant 0 : index
    %swap3A_133 = memref.load %arg2[%swap3A, %swap3A_132] : memref<1x1xf32, #tpu.memory_space<smem>>
    memref.store %add3A_131, %arg2[%swap3A, %swap3A_132] : memref<1x1xf32, #tpu.memory_space<smem>>
    return
  }
  func.func @transform_0(%arg0: i32) -> (i32, i32) {
    %c0_i32 = arith.constant 0 : i32
    %c0_i32_0 = arith.constant 0 : i32
    return %arg0, %c0_i32 : i32, i32
  }
  func.func @transform_1(%arg0: i32) -> (i32, i32) {
    %c0_i32 = arith.constant 0 : i32
    %c0_i32_0 = arith.constant 0 : i32
    %c0_i32_1 = arith.constant 0 : i32
    return %c0_i32, %c0_i32_0 : i32, i32
  }
}

</mosaic_0001>

<sc_bundles>
// kernel: kernel.10.cloned.1.call-start
scs
__scs_entry_jumppad:
0x0: {  	(pc) =	sbr.rel $0x88, $3  }
0x1: {  	(tag) =	ssettag $0x0;
	lr =	simm.s32 $0x1  }
0x2: {  	[smem:$0x3F9D] =	sst lr;
	_ =	strace $0xD0000000  }
0x3: {  	_ = 	snop  }
0x4: {  	_ = 	snop  }
0x5: {  	_ = 	snop  }
0x6: {  	_ = 	snop  }
0x7: {  	_ = 	snop  }
__scs_overlays_trampoline_lowered:
0x8: {  	[smem:$0x3FAC] =	sst s0  }
0x9: {  	[smem:$0x3FAD] =	sst s1  }
0xa: {  	[smem:$0x3FAE] =	sst s2  }
0xb: {  	[smem:$0x3FAF] =	sst s3  }
0xc: {  	[smem:$0x3FB0] =	sst s4  }
0xd: {  	[smem:$0x3FB1] =	sst s5  }
0xe: {  	[smem:$0x3FB2] =	sst s6  }
0xf: {  	[smem:$0x3FB3] =	sst s7  }
0x10: {  	[smem:$0x3FB4] =	sst s8  }
0x11: {  	[smem:$0x3FB5] =	sst s9;
	s0 =	simm.s32 @!p0 $0x0  }
0x12: {  	s1 =	sld [smem:$0x3F9B];
	s0 =	simm.s32 @p0 $0x1  }
0x13: {  	[smem:$0x3FB6] =	sst s0;
	s0 =	simm.s32 @!p1 $0x0  }
0x14: {  	s2 =	sld [smem:$0x3F9A];
	s0 =	simm.s32 @p1 $0x1  }
0x15: {  	[smem:$0x3FB7] =	sst s0;
	s0 =	simm.s32 @!p2 $0x0  }
0x16: {  	s3 =	sld [smem:$0x3FDB];
	s0 =	simm.s32 @p2 $0x1  }
0x17: {  	s4 =	simm.s32 $0x1BF5;
	[smem:$0x3FB9] =	sst s0  }
0x18: {  	s0 =	sld [smem:$0x3F9C];
	_ =	swait.ge [sflag:s4], $0x0  }
0x19: {  	s7 =	sld [smem:$0x3F9D]  }
0x1a: {  	s8 =	sadd.s32 $0xFFFFE003, lr  }
0x1b: {  	s9 =	sadd.s32 $0xFFFFFEF7, lr;
	s5 =	simm.s32 $0xFFFFFFFF;
	p2 =	slt.u32 s8, $0xFFFFF086  }
0x1c: {  	p1 =	slt.u32 s9, $0xF7A;
	s5 =	simm.s32 @!p2 $0x0  }
0x1d: {  	s5 =	simm.s32 @p1 $0x1;
	p0 =	seq.s32 s7, s2  }
0x1e: {  	s7 =	smul.u32 @!p0 $0xF7A, s2;
	p2 =	seq.s32 @!p0 s5, $0x0  }
0x1f: {  	s9 =	smul.u32 $0xF7A, s1;
	s8 =	simm.s32 @!p0 $0x1BF5;
	p2 =	por !p2, p0  }
0x20: {  	[sflag:s8] =	ssyncset.s32 @!p0 $0xFFFFF086;
	s6 =	sadd.s32 @!p0 s3, s7;
	s7 =	simm.s32 @!p0 $0x108  }
0x21: {  	s3 =	sadd.s32 s3, s9;
	s6 =	sadd.s32 @!p0 $0x88, s6;
	s7 =	simm.s32 @p2 $0x1082  }
0x22: {  	[simem:s7], [sflag:s8] =	dma.local @!p0 [hbm:s6], $0xF7A  }
0x23: {  	s9 =	sor.u32 $0xD0000000, s2;
	s6 =	simm.s32 $0x108;
	_ =	swait.ge @!p0 [sflag:s8], $0x0  }
0x24: {  	s3 =	sadd.s32 $0x88, s3;
	s6 =	simm.s32 @!p1 $0x1082;
	[sflag:s4] =	ssyncset.s32 $0xFFFFF086  }
0x25: {  	[simem:s6], [sflag:s4] =	dma.local [hbm:s3], $0xF7A  }
0x26: {  	[smem:$0x3F9D] =	sst s1;
	(tag) =	ssettag s2;
	_ =	strace s9  }
0x27: {  	s1 =	sld [smem:$0x3FAD]  }
0x28: {  	s2 =	sld [smem:$0x3FAE]  }
0x29: {  	s4 =	sld [smem:$0x3FB0]  }
0x2a: {  	p0 =	seq.s32 s5, $0x0;
	s5 =	sld [smem:$0x3FB1]  }
0x2b: {  	s6 =	sld [smem:$0x3FB2]  }
0x2c: {  	s7 =	sld [smem:$0x3FB3]  }
0x2d: {  	s3 =	simm.s32 $0x108;
	s8 =	sld [smem:$0x3FB4]  }
0x2e: {  	s3 =	simm.s32 @!p0 $0x1082;
	s9 =	sld [smem:$0x3FB5]  }
0x2f: {  	lr =	sadd.s32 s0, s3;
	s0 =	sld [smem:$0x3FAC]  }
0x30: {  	s3 =	sld [smem:$0x3FAF]  }
0x31: {  	[smem:$0x3FB8] =	sst s10  }
0x32: {  	s10 =	sld [smem:$0x3FB6];
	_ =	sdelay $0x3  }
0x33: {  	p0 =	seq.s32 s10, $0x1;
	s10 =	sld [smem:$0x3FB8];
	_ =	sdelay $0x3  }
0x34: {  	[smem:$0x3FB8] =	sst s10  }
0x35: {  	s10 =	sld [smem:$0x3FB7];
	_ =	sdelay $0x3  }
0x36: {  	p1 =	seq.s32 s10, $0x1;
	s10 =	sld [smem:$0x3FB8];
	_ =	sdelay $0x3  }
0x37: {  	[smem:$0x3FB8] =	sst s10  }
0x38: {  	s10 =	sld [smem:$0x3FB9]  }
0x39: {  	_ = 	snop;
	(pc) =	sbr.ind lr, $3  }
0x3a: {  	_ = 	snop  }
0x3b: {  	_ = 	snop  }
0x3c: {  	p2 =	seq.s32 s10, $0x1;
	s10 =	sld [smem:$0x3FB8]  }
0x3d: {  	_ =	shalt  }
0x3e: {  	_ =	shalt  }
0x3f: {  	_ =	shalt  }
0x40: {  	_ =	shalt  }
0x41: {  	_ =	shalt  }
0x42: {  	_ =	shalt  }
0x43: {  	_ =	shalt  }
0x44: {  	_ =	shalt  }
0x45: {  	_ =	shalt  }
0x46: {  	_ =	shalt  }
0x47: {  	_ =	shalt  }
0x48: {  	_ =	shalt  }
0x49: {  	_ =	shalt  }
0x4a: {  	_ =	shalt  }
0x4b: {  	_ =	shalt  }
0x4c: {  	_ =	shalt  }
0x4d: {  	_ =	shalt  }
0x4e: {  	_ =	shalt  }
0x4f: {  	_ =	shalt  }
0x50: {  	_ =	shalt  }
0x51: {  	_ =	shalt  }
0x52: {  	_ =	shalt  }
0x53: {  	_ =	shalt  }
0x54: {  	_ =	shalt  }
0x55: {  	_ =	shalt  }
0x56: {  	_ =	shalt  }
0x57: {  	_ =	shalt  }
0x58: {  	_ =	shalt  }
0x59: {  	_ =	shalt  }
0x5a: {  	_ =	shalt  }
0x5b: {  	_ =	shalt  }
0x5c: {  	_ =	shalt  }
0x5d: {  	_ =	shalt  }
0x5e: {  	_ =	shalt  }
0x5f: {  	_ =	shalt  }
0x60: {  	_ =	shalt  }
0x61: {  	_ =	shalt  }
0x62: {  	_ =	shalt  }
0x63: {  	_ =	shalt  }
0x64: {  	_ =	shalt  }
0x65: {  	_ =	shalt  }
0x66: {  	_ =	shalt  }
0x67: {  	_ =	shalt  }
0x68: {  	_ =	shalt  }
0x69: {  	_ =	shalt  }
0x6a: {  	_ =	shalt  }
0x6b: {  	_ =	shalt  }
0x6c: {  	_ =	shalt  }
0x6d: {  	_ =	shalt  }
0x6e: {  	_ =	shalt  }
0x6f: {  	_ =	shalt  }
0x70: {  	_ =	shalt  }
0x71: {  	_ =	shalt  }
0x72: {  	_ =	shalt  }
0x73: {  	_ =	shalt  }
0x74: {  	_ =	shalt  }
0x75: {  	_ =	shalt  }
0x76: {  	_ =	shalt  }
0x77: {  	_ =	shalt  }
0x78: {  	_ =	shalt  }
0x79: {  	_ =	shalt  }
0x7a: {  	_ =	shalt  }
0x7b: {  	_ =	shalt  }
0x7c: {  	_ =	shalt  }
0x7d: {  	_ =	shalt  }
0x7e: {  	_ =	shalt  }
0x7f: {  	_ =	shalt  }
0x80: {  	_ =	shalt  }
0x81: {  	_ =	shalt  }
0x82: {  	_ =	shalt  }
0x83: {  	_ =	shalt  }
0x84: {  	_ =	shalt  }
0x85: {  	_ =	shalt  }
0x86: {  	_ =	shalt  }
0x87: {  	_ =	shalt  }
.Lfunc_end0:
.L_simem_size_0:
called_computation.1_lowered:
.L_overlay_start_0:
0x88: {  	s2 =	sld [smem:$0x3FD9]  }
0x89: {  	s3 =	sld [smem:$0x3FFE];
	_ =	sdelay $0x1  }
0x8a: {  	s1 =	srdreg.scid  }
0x8b: {  	s0 =	sand.u32 $0x1, s1  }
0x8c: {  	s16 =	sshll.u32 s0, $0xA;
	s2 =	sadd.s32 s3, s2  }
0x8d: {  	s2 =	sadd.s32 s2, s16  }
0x8e: {  	[smem:$0x3FC4] =	sst s2  }
0x8f: {  	_ = 	snop  }
0x90: {  	(tm) =	ssettm $0x1  }
0x91: {  	s17 =	sld [smem:$0x3FFB];
	_ =	sdelay $0x3  }
0x92: {  	_ =	strace s17  }
0x93: {  	s2 =	sld [smem:$0x3FFC];
	_ =	sdelay $0x3  }
0x94: {  	_ =	strace s2  }
0x95: {  	s2 =	sld [smem:$0x3FFD];
	_ =	sdelay $0x3  }
0x96: {  	_ =	strace s2  }
0x97: {  	_ =	strace $0x8FFFFFFF  }
0x98: {  	s18 =	sld [smem:$0x3FDB];
	_ =	sdelay $0x1  }
0x99: {  	s19 =	simm.s32 $_scs_section_size  }
0x9a: {  	s4 =	simm.s32 $_size__tile_overlayer_lowered;
	s5 =	simm.s32 $_tile_overlayer_lowered  }
0x9b: {  	s22 =	simm.s32 $0x1BFF;
	s21 =	sshll.u32 s5, $0x1;
	s2 =	sadd.s32 s19, s18  }
0x9c: {  	s6 =	simm.s32 $0x0;
	s20 =	sshll.u32 s4, $0x1;
	s4 =	sadd.s32 s21, s2  }
0x9d: {  	[timem:s6], [sflag:s22] =	dma.local [hbm:s4], s20  }
0x9e: {  	_ =	swait.ge [sflag:s22], s20  }
0x9f: {  	s3 =	ssub.s32 $0x0, s20;
	[sflag:s22] =	ssyncset.done $0x0  }
0xa0: {  	[sflag:s22] =	ssyncadd.s32 s3;
	_ =	sdelay $0x1  }
0xa1: {  	s23 =	simm.s32 $0x1B8B  }
0xa2: {  	_ =	swait.ge [sflag:s23], $0x1  }
0xa3: {  	[sflag:s23] =	ssyncset.done $0x0  }
0xa4: {  	s25 =	simm.s32 $0x1B8E;
	s24 =	sld [smem:$0x3FFE];
	[sflag:s23] =	ssyncadd.s32 $0xFFFFFFFF  }
0xa5: {  	s26 =	simm.s32 $execute0_lowered;
	[smem:$0x3FD2] =	sst s25  }
0xa6: {  	s4 =	sshll.u32 s26, $0x1;
	_ =	strace $0x80000049;
	[dreg:$0x1] =	wrdreg $0xFFFFFFFF  }
0xa7: {  	s28 =	simm.s32 $_size_execute0_lowered;
	s2 =	sadd.s32 s2, s4;
	[dreg:$0x0] =	wrdreg $0x0  }
0xa8: {  	s4 =	sshll.u32 s28, $0x1;
	[dreg:$0x2] =	wrdreg s2  }
0xa9: {  	[dreg:$0x3] =	wrdreg s4  }
0xaa: {  	[dreg:$0x4] =	wrdreg $0xC0  }
0xab: {  	_ =	task [dreg:s6], $0x5FFFF  }
0xac: {  	[dreg:$0x1] =	wrdreg $0xFFFFFFFF  }
0xad: {  	[dreg:$0x0] =	wrdreg $0x60  }
0xae: {  	[dreg:$0x2] =	wrdreg s24  }
0xaf: {  	[dreg:$0x3] =	wrdreg $0x9  }
0xb0: {  	_ =	task.clear_ibuf [dreg:s6], $0x4FFFF;
	_ =	strace $0x90000049  }
0xb1: {  	s29 =	simm.s32 $0x9;
	_ =	strace $0x8000004B  }
0xb2: {  	_ =	swait.ge [sflag:s29], $0x1  }
0xb3: {  	[sflag:s29] =	ssyncadd.s32 $0xFFFFFFFF  }
0xb4: {  	_ =	strace $0x9000004B  }
0xb5: {  	_ =	sfence  }
0xb6: {  	s30 =	sld [smem:$0x0];
	_ =	sdelay $0x2  }
0xb7: {  	s31 =	sshll.u32 s1, $0xD;
	s1 =	sshrl.u32 s1, $0x2  }
0xb8: {  	s3 =	sand.u32 $0x4000, s31;
	s1 =	sadd.s32 s1, s30  }
0xb9: {  	s0 =	sor.u32 s3, s0;
	s1 =	sshll.u32 s1, $0x11  }
0xba: {  	s0 =	sor.u32 s1, s0  }
0xbb: {  	s0 =	sadd.s32 $0x8F2B, s0  }
0xbc: {  	[sflag:s0] =	ssyncadd.remote.s32 $0x1  }
0xbd: {  	_ =	sfence.sel $0xFFFF  }
0xbe: {  	[dreg:$0x0] =	wrdreg $0xFFFFFFFF;
	(pc) =	sbr.abs _section_cstart, $3  }
0xbf: {  	[dreg:$0x1] =	wrdreg $0xFFFFFFFF  }
0xc0: {  	_ =	task.clear_ibuf [dreg:s6], $0x2FFFF;
	_ =	strace $0x9FFFFFFF  }
0xc1: {  	(tm) =	ssettm $0x7FFFFFFF  }
tec
execute0_lowered:
.L_overlay_start_1:
0x0: {  	(tag) =	ssettag $0x1  }
0x1: {  	s6 =	rddreg [dreg:$0x0]  }
0x2: {  	s0 =	rddreg [dreg:$0x1];
	s1 =	simm.s32 $0x0  }
0x3: {  	s4 =	srdreg.scid;
	s2 =	stileid.u32;
	s11 =	simm.s32 $0x6180  }
0x4: {  	s12 =	simm.s32 $0x80;
	s13 =	simm.s32 $0x180;
	s14 =	simm.s32 $0x2180  }
0x5: {  	s15 =	simm.s32 $0x100;
	s16 =	simm.s32 $0x4180;
	s17 =	simm.s32 $0x1  }
0x6: {  	s18 =	simm.s32 $0x7180;
	s19 =	simm.s32 $0x0;
	[smem:$0x7FF] =	sst s1  }
0x7: {  	s3 =	sadd.s32 $0x7EB000, s6;
	s7 =	sand.u32 $0x1, s4;
	s4 =	sadd.s32 $0x7EE000, s6  }
0x8: {  	s9 =	sshll.u32 s2, $0x1;
	s5 =	sadd.s32 $0x7CB000, s6;
	s8 =	ssub.s32 $0x2, s7  }
0x9: {  	s6 =	sadd.s32 $0x1000, s6;
	s9 =	sor.u32 s7, s9;
	s10 =	sshrl.u32 s8, $0x1  }
0xa: {  	_ =	strace $0x8000004A;
	s7 =	sshll.u32 s9, $0x9;
	s10 =	ssub.s32 s8, s10  }
0xb: {  	s8 =	sshll.u32 s9, $0x3;
	s9 =	smax.u32 s10, $0x1;
	s10 =	simm.s32 $0x2  }
.LBB2_1:
0xc: {  	s20 =	simm.s32 $0x0  }
.LBB2_2:
0xd: {  	s21 =	sadd.s32 s8, s20  }
0xe: {  	s21 =	smul.u32 $0x30, s21;
	_ =	sdelay $0x1  }
0xf: {  	s22 =	sshll.u32 s20, $0x6;
	s23 =	simm.s32 $0x0;
	s21 =	sadd.s32 s3, s21  }
0x10: {  	[tilespmem:s23], [sflag:$0x2] =	stream.linear.gather [hbm4b:s21+s23], $0x180, $0x38;
	[tilespmem:$0x8980] =	vst v63  }
0x11: {  	s21 =	sadd.s32 s7, s22;
	_ =	swait.ge [sflag:s10], $0x180  }
0x12: {  	s22 =	sshll.u32 s21, $0x3;
	[sflag:s10] =	ssyncset.done $0x0  }
0x13: {  	s22 =	sadd.s32 s5, s22;
	[sflag:s10] =	ssyncadd.s32 $0xFFFFFE80  }
0x14: {  	[tilespmem:s11], [sflag:$0x1] =	stream.linear.gather [hbm4b:s22+s23], $0x1000, $0x38;
	[tilespmem:$0x8980] =	vst v63  }
0x15: {  	_ = 	snop  }
0x16: {  	[tilespmem:s13], [sflag:$0x1] =	stream.indirect.gather [hbm4b:s4+s12], $0x40, s23, s12, $0xb8;
	[tilespmem:$0x8980] =	vst v63  }
0x17: {  	_ = 	snop  }
0x18: {  	[tilespmem:s14], [sflag:$0x1] =	stream.indirect.gather [hbm4b:s4+s12], $0x40, s12, s12, $0xb8;
	[tilespmem:$0x8980] =	vst v63  }
0x19: {  	_ = 	snop  }
0x1a: {  	[tilespmem:s16], [sflag:$0x1] =	stream.indirect.gather [hbm4b:s4+s12], $0x40, s15, s12, $0xb8;
	[tilespmem:$0x8980] =	vst v63  }
0x1b: {  	_ =	swait.ge [sflag:s17], $0x1000  }
0x1c: {  	[sflag:s17] =	ssyncset.done $0x0  }
0x1d: {  	[sflag:s17] =	ssyncadd.s32 $0xFFFFF000  }
0x1e: {  	_ =	swait.ge [sflag:s17], $0x2000  }
0x1f: {  	[sflag:s17] =	ssyncset.done $0x0  }
0x20: {  	[sflag:s17] =	ssyncadd.s32 $0xFFFFE000  }
0x21: {  	_ =	swait.ge [sflag:s17], $0x2000  }
0x22: {  	[sflag:s17] =	ssyncset.done $0x0  }
0x23: {  	[sflag:s17] =	ssyncadd.s32 $0xFFFFE000  }
0x24: {  	_ =	swait.ge [sflag:s17], $0x2000  }
0x25: {  	[sflag:s17] =	ssyncset.done $0x0  }
0x26: {  	s31 =	simm.s32 $0x0;
	[sflag:s17] =	ssyncadd.s32 $0xFFFFE000  }
0x27: {  	v0 =	vld [tilespmem:s31+$0x6190]  }
0x28: {  	s22 =	simm.s32 $0x240;
	v1 =	vld [tilespmem:s31+$0x6180]  }
0x29: {  	v4 =	vld [tilespmem:s22+$0xFFFFFF40]  }
0x2a: {  	v5 =	vld [tilespmem:s22+$0xFFFFFF50]  }
0x2b: {  	v2 =	vld [tilespmem:s31+$0x61A0]  }
0x2c: {  	v6 =	vld [tilespmem:s22+$0xFFFFFF60]  }
0x2d: {  	v7 =	vld [tilespmem:s22+$0xFFFFFF70]  }
0x2e: {  	v3 =	vld [tilespmem:s31+$0x61B0]  }
0x2f: {  	v4 =	vmul.f32 v4, v1;
	v5 =	vmul.f32 v5, v0;
	_ =	sdelay $0x1  }
0x30: {  	v4 =	vadd.f32 v5, v4;
	v5 =	vmul.f32 v6, v2;
	_ =	sdelay $0x1  }
0x31: {  	v4 =	vadd.f32 v5, v4;
	v5 =	vmul.f32 v7, v3;
	_ =	sdelay $0x1  }
0x32: {  	v4 =	vadd.f32 v5, v4  }
0x33: {  	s23 =	simm.s32 $0x71B0  }
0x34: {  	[tilespmem:s23+$0xFFFFFFD0] =	vst v4  }
0x35: {  	v4 =	vld [tilespmem:s22+$0xFFFFFF80]  }
0x36: {  	v5 =	vld [tilespmem:s22+$0xFFFFFF90];
	_ =	sdelay $0x1  }
0x37: {  	v6 =	vld [tilespmem:s22+$0xFFFFFFA0];
	_ =	sdelay $0x1  }
0x38: {  	v7 =	vld [tilespmem:s22+$0xFFFFFFB0]  }
0x39: {  	v4 =	vmul.f32 v4, v1;
	v5 =	vmul.f32 v5, v0;
	_ =	sdelay $0x1  }
0x3a: {  	v4 =	vadd.f32 v5, v4;
	v5 =	vmul.f32 v6, v2;
	_ =	sdelay $0x1  }
0x3b: {  	v4 =	vadd.f32 v5, v4;
	v5 =	vmul.f32 v7, v3;
	_ =	sdelay $0x1  }
0x3c: {  	v4 =	vadd.f32 v5, v4;
	_ =	sdelay $0x1  }
0x3d: {  	[tilespmem:s23+$0xFFFFFFE0] =	vst v4  }
0x3e: {  	v4 =	vld [tilespmem:s22+$0xFFFFFFD0]  }
0x3f: {  	v5 =	vld [tilespmem:s22+$0xFFFFFFC0];
	_ =	sdelay $0x1  }
0x40: {  	v6 =	vld [tilespmem:s22+$0xFFFFFFE0];
	_ =	sdelay $0x1  }
0x41: {  	v7 =	vld [tilespmem:s22+$0xFFFFFFF0]  }
0x42: {  	v4 =	vmul.f32 v4, v0;
	v5 =	vmul.f32 v5, v1;
	_ =	sdelay $0x1  }
0x43: {  	v6 =	vmul.f32 v6, v2;
	v4 =	vadd.f32 v4, v5;
	_ =	sdelay $0x1  }
0x44: {  	v5 =	vmul.f32 v7, v3;
	v4 =	vadd.f32 v6, v4;
	_ =	sdelay $0x1  }
0x45: {  	v4 =	vadd.f32 v5, v4;
	_ =	sdelay $0x1  }
0x46: {  	[tilespmem:s23+$0xFFFFFFF0] =	vst v4  }
0x47: {  	v4 =	vld [tilespmem:s22+$0x0]  }
0x48: {  	v5 =	vld [tilespmem:s22+$0x10];
	_ =	sdelay $0x1  }
0x49: {  	v6 =	vld [tilespmem:s22+$0x20];
	_ =	sdelay $0x1  }
0x4a: {  	v7 =	vld [tilespmem:s22+$0x30]  }
0x4b: {  	v4 =	vmul.f32 v4, v1;
	v5 =	vmul.f32 v5, v0;
	_ =	sdelay $0x1  }
0x4c: {  	v4 =	vadd.f32 v5, v4;
	v5 =	vmul.f32 v6, v2;
	_ =	sdelay $0x1  }
0x4d: {  	v4 =	vadd.f32 v5, v4;
	v5 =	vmul.f32 v7, v3;
	_ =	sdelay $0x1  }
0x4e: {  	v4 =	vadd.f32 v5, v4;
	_ =	sdelay $0x1  }
0x4f: {  	[tilespmem:s23+$0x0] =	vst v4  }
0x50: {  	v4 =	vld [tilespmem:s22+$0x40]  }
0x51: {  	v5 =	vld [tilespmem:s22+$0x50];
	_ =	sdelay $0x1  }
0x52: {  	v6 =	vld [tilespmem:s22+$0x60];
	_ =	sdelay $0x1  }
0x53: {  	v7 =	vld [tilespmem:s22+$0x70]  }
0x54: {  	v4 =	vmul.f32 v4, v1;
	v5 =	vmul.f32 v5, v0;
	_ =	sdelay $0x1  }
0x55: {  	v4 =	vadd.f32 v5, v4;
	v5 =	vmul.f32 v6, v2;
	_ =	sdelay $0x1  }
0x56: {  	v6 =	vmul.f32 v7, v3;
	v4 =	vadd.f32 v5, v4;
	_ =	sdelay $0x1  }
0x57: {  	v4 =	vadd.f32 v6, v4;
	_ =	sdelay $0x1  }
0x58: {  	[tilespmem:s23+$0x10] =	vst v4  }
0x59: {  	s25 =	simm.s32 $0x100;
	s26 =	simm.s32 $0x240;
	s24 =	simm.s32 $0x71B0;
	v4 =	vld [tilespmem:s22+$0x80]  }
.LBB2_3:
0x5a: {  	p0 =	sne.s32 s25, $0x3F00;
	v5 =	vld [tilespmem:s22+$0x90];
	s23 =	sadd.s32 $0x60, s23;
	s26 =	sadd.s32 $0x180, s26  }
0x5b: {  	s28 =	smov.u32 s25;
	s25 =	sadd.s32 $0x100, s25;
	v6 =	vld [tilespmem:s22+$0xA0]  }
0x5c: {  	v7 =	vld [tilespmem:s22+$0xB0];
	s22 =	smov.u32 s26;
	_ =	sdelay $0x1  }
0x5d: {  	v1 =	vmul.f32 v4, v1  }
0x5e: {  	v0 =	vmul.f32 v5, v0;
	_ =	sdelay $0x1  }
0x5f: {  	v0 =	vadd.f32 v0, v1;
	v1 =	vmul.f32 v6, v2;
	v2 =	vmul.f32 v7, v3  }
0x60: {  	s28 =	sshra.s32 s28, $0x2  }
0x61: {  	v0 =	vadd.f32 v1, v0;
	_ =	sdelay $0x1  }
0x62: {  	v0 =	vadd.f32 v2, v0;
	_ =	sdelay $0x1  }
0x63: {  	[tilespmem:s24+$0x20] =	vst v0;
	s24 =	smov.u32 s23  }
0x64: {  	v0 =	vld [tilespmem:s28+$0x6190]  }
0x65: {  	v1 =	vld [tilespmem:s28+$0x6180]  }
0x66: {  	v4 =	vld [tilespmem:s26+$0xFFFFFF40]  }
0x67: {  	v5 =	vld [tilespmem:s26+$0xFFFFFF50]  }
0x68: {  	v2 =	vld [tilespmem:s28+$0x61A0]  }
0x69: {  	v6 =	vld [tilespmem:s26+$0xFFFFFF60]  }
0x6a: {  	v7 =	vld [tilespmem:s26+$0xFFFFFF70]  }
0x6b: {  	v3 =	vld [tilespmem:s28+$0x61B0]  }
0x6c: {  	v4 =	vmul.f32 v4, v1;
	v5 =	vmul.f32 v5, v0;
	_ =	sdelay $0x1  }
0x6d: {  	v4 =	vadd.f32 v5, v4;
	v5 =	vmul.f32 v6, v2;
	_ =	sdelay $0x1  }
0x6e: {  	v4 =	vadd.f32 v5, v4;
	v5 =	vmul.f32 v7, v3;
	_ =	sdelay $0x1  }
0x6f: {  	v4 =	vadd.f32 v5, v4;
	_ =	sdelay $0x1  }
0x70: {  	[tilespmem:s23+$0xFFFFFFD0] =	vst v4  }
0x71: {  	v4 =	vld [tilespmem:s26+$0xFFFFFF80]  }
0x72: {  	v5 =	vld [tilespmem:s26+$0xFFFFFF90];
	_ =	sdelay $0x1  }
0x73: {  	v6 =	vld [tilespmem:s26+$0xFFFFFFA0];
	_ =	sdelay $0x1  }
0x74: {  	v4 =	vmul.f32 v4, v1;
	v7 =	vld [tilespmem:s26+$0xFFFFFFB0]  }
0x75: {  	v5 =	vmul.f32 v5, v0;
	_ =	sdelay $0x1  }
0x76: {  	v4 =	vadd.f32 v5, v4;
	v5 =	vmul.f32 v6, v2;
	_ =	sdelay $0x1  }
0x77: {  	v4 =	vadd.f32 v5, v4;
	v5 =	vmul.f32 v7, v3;
	_ =	sdelay $0x1  }
0x78: {  	v4 =	vadd.f32 v5, v4;
	_ =	sdelay $0x1  }
0x79: {  	[tilespmem:s23+$0xFFFFFFE0] =	vst v4  }
0x7a: {  	v4 =	vld [tilespmem:s26+$0xFFFFFFD0]  }
0x7b: {  	v5 =	vld [tilespmem:s26+$0xFFFFFFC0]  }
0x7c: {  	v6 =	vld [tilespmem:s26+$0xFFFFFFE0];
	_ =	sdelay $0x1  }
0x7d: {  	v7 =	vld [tilespmem:s26+$0xFFFFFFF0]  }
0x7e: {  	v4 =	vmul.f32 v4, v0  }
0x7f: {  	v5 =	vmul.f32 v5, v1  }
0x80: {  	v6 =	vmul.f32 v6, v2  }
0x81: {  	v4 =	vadd.f32 v4, v5;
	_ =	sdelay $0x1  }
0x82: {  	v5 =	vmul.f32 v7, v3;
	v4 =	vadd.f32 v6, v4;
	_ =	sdelay $0x1  }
0x83: {  	v4 =	vadd.f32 v5, v4;
	_ =	sdelay $0x1  }
0x84: {  	[tilespmem:s23+$0xFFFFFFF0] =	vst v4  }
0x85: {  	v4 =	vld [tilespmem:s26+$0x0]  }
0x86: {  	v5 =	vld [tilespmem:s26+$0x10];
	_ =	sdelay $0x1  }
0x87: {  	v6 =	vld [tilespmem:s26+$0x20];
	_ =	sdelay $0x1  }
0x88: {  	v4 =	vmul.f32 v4, v1;
	v7 =	vld [tilespmem:s26+$0x30]  }
0x89: {  	v5 =	vmul.f32 v5, v0;
	_ =	sdelay $0x1  }
0x8a: {  	v4 =	vadd.f32 v5, v4;
	v5 =	vmul.f32 v6, v2;
	_ =	sdelay $0x1  }
0x8b: {  	v4 =	vadd.f32 v5, v4;
	v5 =	vmul.f32 v7, v3;
	_ =	sdelay $0x1  }
0x8c: {  	v4 =	vadd.f32 v5, v4;
	_ =	sdelay $0x1  }
0x8d: {  	[tilespmem:s23+$0x0] =	vst v4  }
0x8e: {  	v4 =	vld [tilespmem:s26+$0x40]  }
0x8f: {  	v5 =	vld [tilespmem:s26+$0x50]  }
0x90: {  	v6 =	vld [tilespmem:s26+$0x60]  }
0x91: {  	v7 =	vld [tilespmem:s26+$0x70];
	_ =	sdelay $0x1  }
0x92: {  	v4 =	vmul.f32 v4, v1  }
0x93: {  	v5 =	vmul.f32 v5, v0;
	_ =	sdelay $0x1  }
0x94: {  	v4 =	vadd.f32 v5, v4;
	v5 =	vmul.f32 v6, v2;
	v6 =	vmul.f32 v7, v3;
	_ =	sdelay $0x1  }
0x95: {  	v4 =	vadd.f32 v5, v4  }
.Ltmp0:
0x96: {  	(pc) =	sbr.rel @p0 .LBB2_3-.Ltmp0, $3  }
0x97: {  	v4 =	vadd.f32 v6, v4;
	_ =	sdelay $0x1  }
0x98: {  	[tilespmem:s23+$0x10] =	vst v4  }
0x99: {  	v4 =	vld [tilespmem:s26+$0x80]  }
0x9a: {  	v5 =	vld [tilespmem:s22+$0x90];
	_ =	sdelay $0x1  }
0x9b: {  	v6 =	vld [tilespmem:s22+$0xA0];
	_ =	sdelay $0x1  }
0x9c: {  	v7 =	vld [tilespmem:s22+$0xB0]  }
0x9d: {  	v1 =	vmul.f32 v4, v1;
	v0 =	vmul.f32 v5, v0;
	_ =	sdelay $0x1  }
0x9e: {  	v62 =	vmul.f32 v6, v2;
	v0 =	vadd.f32 v0, v1;
	_ =	sdelay $0x1  }
0x9f: {  	v63 =	vmul.f32 v7, v3;
	v0 =	vadd.f32 v62, v0;
	_ =	sdelay $0x1  }
0xa0: {  	s21 =	smul.u32 $0xC, s21;
	s20 =	sadd.s32 $0x1, s20;
	v0 =	vadd.f32 v63, v0  }
0xa1: {  	p0 =	sne.s32 s20, $0x8  }
.Ltmp1:
0xa2: {  	s21 =	sadd.s32 s6, s21;
	[tilespmem:s24+$0x20] =	vst v0;
	(pc) =	sbr.rel @p0 .LBB2_2-.Ltmp1, $4  }
0xa3: {  	[hbm4b:s21+s1] =	stream.linear.scatter [tilespmem:s18], [sflag:$0x2], $0x1800, $0x38;
	[tilespmem:$0x8980] =	vst v63  }
0xa4: {  	_ =	swait.ge [sflag:s10], $0x1800  }
0xa5: {  	[sflag:s10] =	ssyncset.done $0x0  }
0xa6: {  	[sflag:s10] =	ssyncadd.s32 $0xFFFFE800  }
0xa7: {  	s19 =	sadd.s32 $0x1, s19  }
0xa8: {  	p0 =	sne.s32 s19, s9  }
.Ltmp2:
0xa9: {  	_ = 	snop;
	(pc) =	sbr.rel @p0 .LBB2_1-.Ltmp2, $1  }
0xaa: {  	_ =	sdelay $0x3  }
0xab: {  	_ =	sfence.sel $0x180000  }
0xac: {  	[bflag:$0x0] =	sbarrier.arrive $0xFFFF  }
0xad: {  	p0 =	sne.s32 s2, $0x0;
	_ =	strace $0x9000004A  }
0xae: {  	s0 =	sadd.s32 @!p0 $0x100000, s0;
	[bflag:$0x2] =	sbarrier.arrive $0xFFFF  }
0xaf: {  	[sflag:s0] =	ssyncadd.tile.s32 @!p0 $0x1;
	_ =	shalt  }
.Lfunc_end2:
_tile_overlayer_lowered:
.L_overlay_start_2:
0xb0: {  	(tag) =	ssettag $0x2  }
0xb1: {  	s0 =	rddreg [dreg:$0x0];
	s2 =	stileid.u32  }
0xb2: {  	s1 =	rddreg [dreg:$0x1];
	p0 =	sne.s32 s2, $0x0  }
0xb3: {  	s3 =	rddreg [dreg:$0x2];
	[bflag:$0x3] =	sbarrier.arrive $0xFFFF;
	s2 =	simm.s32 @!p0 $0x1C02  }
0xb4: {  	[timem:s3], [sflag:s2] =	dma.local @!p0 [hbm:s0], s1  }
0xb5: {  	s0 =	simm.s32 @!p0 $0x2  }
0xb6: {  	_ =	swait.ge @!p0 [sflag:s0], s1  }
0xb7: {  	s1 =	ssub.s32 @!p0 $0x0, s1;
	[sflag:s0] =	ssyncset.done @!p0 $0x0  }
0xb8: {  	[sflag:s0] =	ssyncadd.s32 @!p0 s1  }
0xb9: {  	[bflag:$0x3] =	sbarrier.arrive $0xFFFF  }
0xba: {  	_ =	shalt  }

// kernel: kernel.7.cloned.1.call-start
scs
__scs_entry_jumppad:
0x0: {  	(pc) =	sbr.rel $0x88, $3  }
0x1: {  	(tag) =	ssettag $0x0;
	lr =	simm.s32 $0x1  }
0x2: {  	[smem:$0x3F9D] =	sst lr;
	_ =	strace $0xD0000000  }
0x3: {  	_ = 	snop  }
0x4: {  	_ = 	snop  }
0x5: {  	_ = 	snop  }
0x6: {  	_ = 	snop  }
0x7: {  	_ = 	snop  }
__scs_overlays_trampoline_lowered:
0x8: {  	[smem:$0x3FAC] =	sst s0  }
0x9: {  	[smem:$0x3FAD] =	sst s1  }
0xa: {  	[smem:$0x3FAE] =	sst s2  }
0xb: {  	[smem:$0x3FAF] =	sst s3  }
0xc: {  	[smem:$0x3FB0] =	sst s4  }
0xd: {  	[smem:$0x3FB1] =	sst s5  }
0xe: {  	[smem:$0x3FB2] =	sst s6  }
0xf: {  	[smem:$0x3FB3] =	sst s7  }
0x10: {  	[smem:$0x3FB4] =	sst s8  }
0x11: {  	[smem:$0x3FB5] =	sst s9;
	s0 =	simm.s32 @!p0 $0x0  }
0x12: {  	s1 =	sld [smem:$0x3F9B];
	s0 =	simm.s32 @p0 $0x1  }
0x13: {  	[smem:$0x3FB6] =	sst s0;
	s0 =	simm.s32 @!p1 $0x0  }
0x14: {  	s2 =	sld [smem:$0x3F9A];
	s0 =	simm.s32 @p1 $0x1  }
0x15: {  	[smem:$0x3FB7] =	sst s0;
	s0 =	simm.s32 @!p2 $0x0  }
0x16: {  	s3 =	sld [smem:$0x3FDB];
	s0 =	simm.s32 @p2 $0x1  }
0x17: {  	s4 =	simm.s32 $0x1BF5;
	[smem:$0x3FB9] =	sst s0  }
0x18: {  	s0 =	sld [smem:$0x3F9C];
	_ =	swait.ge [sflag:s4], $0x0  }
0x19: {  	s7 =	sld [smem:$0x3F9D]  }
0x1a: {  	s8 =	sadd.s32 $0xFFFFE003, lr  }
0x1b: {  	s9 =	sadd.s32 $0xFFFFFEF7, lr;
	s5 =	simm.s32 $0xFFFFFFFF;
	p2 =	slt.u32 s8, $0xFFFFF086  }
0x1c: {  	p1 =	slt.u32 s9, $0xF7A;
	s5 =	simm.s32 @!p2 $0x0  }
0x1d: {  	s5 =	simm.s32 @p1 $0x1;
	p0 =	seq.s32 s7, s2  }
0x1e: {  	s7 =	smul.u32 @!p0 $0xF7A, s2;
	p2 =	seq.s32 @!p0 s5, $0x0  }
0x1f: {  	s9 =	smul.u32 $0xF7A, s1;
	s8 =	simm.s32 @!p0 $0x1BF5;
	p2 =	por !p2, p0  }
0x20: {  	[sflag:s8] =	ssyncset.s32 @!p0 $0xFFFFF086;
	s6 =	sadd.s32 @!p0 s3, s7;
	s7 =	simm.s32 @!p0 $0x108  }
0x21: {  	s3 =	sadd.s32 s3, s9;
	s6 =	sadd.s32 @!p0 $0x88, s6;
	s7 =	simm.s32 @p2 $0x1082  }
0x22: {  	[simem:s7], [sflag:s8] =	dma.local @!p0 [hbm:s6], $0xF7A  }
0x23: {  	s9 =	sor.u32 $0xD0000000, s2;
	s6 =	simm.s32 $0x108;
	_ =	swait.ge @!p0 [sflag:s8], $0x0  }
0x24: {  	s3 =	sadd.s32 $0x88, s3;
	s6 =	simm.s32 @!p1 $0x1082;
	[sflag:s4] =	ssyncset.s32 $0xFFFFF086  }
0x25: {  	[simem:s6], [sflag:s4] =	dma.local [hbm:s3], $0xF7A  }
0x26: {  	[smem:$0x3F9D] =	sst s1;
	(tag) =	ssettag s2;
	_ =	strace s9  }
0x27: {  	s1 =	sld [smem:$0x3FAD]  }
0x28: {  	s2 =	sld [smem:$0x3FAE]  }
0x29: {  	s4 =	sld [smem:$0x3FB0]  }
0x2a: {  	p0 =	seq.s32 s5, $0x0;
	s5 =	sld [smem:$0x3FB1]  }
0x2b: {  	s6 =	sld [smem:$0x3FB2]  }
0x2c: {  	s7 =	sld [smem:$0x3FB3]  }
0x2d: {  	s3 =	simm.s32 $0x108;
	s8 =	sld [smem:$0x3FB4]  }
0x2e: {  	s3 =	simm.s32 @!p0 $0x1082;
	s9 =	sld [smem:$0x3FB5]  }
0x2f: {  	lr =	sadd.s32 s0, s3;
	s0 =	sld [smem:$0x3FAC]  }
0x30: {  	s3 =	sld [smem:$0x3FAF]  }
0x31: {  	[smem:$0x3FB8] =	sst s10  }
0x32: {  	s10 =	sld [smem:$0x3FB6];
	_ =	sdelay $0x3  }
0x33: {  	p0 =	seq.s32 s10, $0x1;
	s10 =	sld [smem:$0x3FB8];
	_ =	sdelay $0x3  }
0x34: {  	[smem:$0x3FB8] =	sst s10  }
0x35: {  	s10 =	sld [smem:$0x3FB7];
	_ =	sdelay $0x3  }
0x36: {  	p1 =	seq.s32 s10, $0x1;
	s10 =	sld [smem:$0x3FB8];
	_ =	sdelay $0x3  }
0x37: {  	[smem:$0x3FB8] =	sst s10  }
0x38: {  	s10 =	sld [smem:$0x3FB9]  }
0x39: {  	_ = 	snop;
	(pc) =	sbr.ind lr, $3  }
0x3a: {  	_ = 	snop  }
0x3b: {  	_ = 	snop  }
0x3c: {  	p2 =	seq.s32 s10, $0x1;
	s10 =	sld [smem:$0x3FB8]  }
0x3d: {  	_ =	shalt  }
0x3e: {  	_ =	shalt  }
0x3f: {  	_ =	shalt  }
0x40: {  	_ =	shalt  }
0x41: {  	_ =	shalt  }
0x42: {  	_ =	shalt  }
0x43: {  	_ =	shalt  }
0x44: {  	_ =	shalt  }
0x45: {  	_ =	shalt  }
0x46: {  	_ =	shalt  }
0x47: {  	_ =	shalt  }
0x48: {  	_ =	shalt  }
0x49: {  	_ =	shalt  }
0x4a: {  	_ =	shalt  }
0x4b: {  	_ =	shalt  }
0x4c: {  	_ =	shalt  }
0x4d: {  	_ =	shalt  }
0x4e: {  	_ =	shalt  }
0x4f: {  	_ =	shalt  }
0x50: {  	_ =	shalt  }
0x51: {  	_ =	shalt  }
0x52: {  	_ =	shalt  }
0x53: {  	_ =	shalt  }
0x54: {  	_ =	shalt  }
0x55: {  	_ =	shalt  }
0x56: {  	_ =	shalt  }
0x57: {  	_ =	shalt  }
0x58: {  	_ =	shalt  }
0x59: {  	_ =	shalt  }
0x5a: {  	_ =	shalt  }
0x5b: {  	_ =	shalt  }
0x5c: {  	_ =	shalt  }
0x5d: {  	_ =	shalt  }
0x5e: {  	_ =	shalt  }
0x5f: {  	_ =	shalt  }
0x60: {  	_ =	shalt  }
0x61: {  	_ =	shalt  }
0x62: {  	_ =	shalt  }
0x63: {  	_ =	shalt  }
0x64: {  	_ =	shalt  }
0x65: {  	_ =	shalt  }
0x66: {  	_ =	shalt  }
0x67: {  	_ =	shalt  }
0x68: {  	_ =	shalt  }
0x69: {  	_ =	shalt  }
0x6a: {  	_ =	shalt  }
0x6b: {  	_ =	shalt  }
0x6c: {  	_ =	shalt  }
0x6d: {  	_ =	shalt  }
0x6e: {  	_ =	shalt  }
0x6f: {  	_ =	shalt  }
0x70: {  	_ =	shalt  }
0x71: {  	_ =	shalt  }
0x72: {  	_ =	shalt  }
0x73: {  	_ =	shalt  }
0x74: {  	_ =	shalt  }
0x75: {  	_ =	shalt  }
0x76: {  	_ =	shalt  }
0x77: {  	_ =	shalt  }
0x78: {  	_ =	shalt  }
0x79: {  	_ =	shalt  }
0x7a: {  	_ =	shalt  }
0x7b: {  	_ =	shalt  }
0x7c: {  	_ =	shalt  }
0x7d: {  	_ =	shalt  }
0x7e: {  	_ =	shalt  }
0x7f: {  	_ =	shalt  }
0x80: {  	_ =	shalt  }
0x81: {  	_ =	shalt  }
0x82: {  	_ =	shalt  }
0x83: {  	_ =	shalt  }
0x84: {  	_ =	shalt  }
0x85: {  	_ =	shalt  }
0x86: {  	_ =	shalt  }
0x87: {  	_ =	shalt  }
.Lfunc_end0:
.L_simem_size_0:
called_computation_lowered:
.L_overlay_start_0:
0x88: {  	s2 =	sld [smem:$0x3FD9]  }
0x89: {  	s3 =	sld [smem:$0x3FFE];
	_ =	sdelay $0x1  }
0x8a: {  	s1 =	srdreg.scid  }
0x8b: {  	s0 =	sand.u32 $0x1, s1  }
0x8c: {  	s16 =	sshll.u32 s0, $0xA;
	s2 =	sadd.s32 s3, s2  }
0x8d: {  	s2 =	sadd.s32 s2, s16  }
0x8e: {  	[smem:$0x3FC4] =	sst s2  }
0x8f: {  	_ = 	snop  }
0x90: {  	(tm) =	ssettm $0x1  }
0x91: {  	s17 =	sld [smem:$0x3FFB];
	_ =	sdelay $0x3  }
0x92: {  	_ =	strace s17  }
0x93: {  	s2 =	sld [smem:$0x3FFC];
	_ =	sdelay $0x3  }
0x94: {  	_ =	strace s2  }
0x95: {  	s2 =	sld [smem:$0x3FFD];
	_ =	sdelay $0x3  }
0x96: {  	_ =	strace s2  }
0x97: {  	_ =	strace $0x8FFFFFFF  }
0x98: {  	s18 =	sld [smem:$0x3FDB];
	_ =	sdelay $0x1  }
0x99: {  	s19 =	simm.s32 $_scs_section_size  }
0x9a: {  	s4 =	simm.s32 $_size__tile_overlayer_lowered;
	s5 =	simm.s32 $_tile_overlayer_lowered  }
0x9b: {  	s22 =	simm.s32 $0x1BFF;
	s21 =	sshll.u32 s5, $0x1;
	s2 =	sadd.s32 s19, s18  }
0x9c: {  	s6 =	simm.s32 $0x0;
	s20 =	sshll.u32 s4, $0x1;
	s4 =	sadd.s32 s21, s2  }
0x9d: {  	[timem:s6], [sflag:s22] =	dma.local [hbm:s4], s20  }
0x9e: {  	_ =	swait.ge [sflag:s22], s20  }
0x9f: {  	s3 =	ssub.s32 $0x0, s20;
	[sflag:s22] =	ssyncset.done $0x0  }
0xa0: {  	[sflag:s22] =	ssyncadd.s32 s3;
	_ =	sdelay $0x1  }
0xa1: {  	s23 =	simm.s32 $0x1B8B  }
0xa2: {  	_ =	swait.ge [sflag:s23], $0x1  }
0xa3: {  	[sflag:s23] =	ssyncset.done $0x0  }
0xa4: {  	s25 =	simm.s32 $0x1B8E;
	s24 =	sld [smem:$0x3FFE];
	[sflag:s23] =	ssyncadd.s32 $0xFFFFFFFF  }
0xa5: {  	s26 =	simm.s32 $execute0_lowered;
	[smem:$0x3FD2] =	sst s25  }
0xa6: {  	s4 =	sshll.u32 s26, $0x1;
	_ =	strace $0x80000046;
	[dreg:$0x1] =	wrdreg $0xFFFFFFFF  }
0xa7: {  	s28 =	simm.s32 $_size_execute0_lowered;
	s2 =	sadd.s32 s2, s4;
	[dreg:$0x0] =	wrdreg $0x0  }
0xa8: {  	s4 =	sshll.u32 s28, $0x1;
	[dreg:$0x2] =	wrdreg s2  }
0xa9: {  	[dreg:$0x3] =	wrdreg s4  }
0xaa: {  	[dreg:$0x4] =	wrdreg $0xC0  }
0xab: {  	_ =	task [dreg:s6], $0x5FFFF  }
0xac: {  	[dreg:$0x1] =	wrdreg $0xFFFFFFFF  }
0xad: {  	[dreg:$0x0] =	wrdreg $0x60  }
0xae: {  	[dreg:$0x2] =	wrdreg s24  }
0xaf: {  	[dreg:$0x3] =	wrdreg $0x9  }
0xb0: {  	_ =	task.clear_ibuf [dreg:s6], $0x4FFFF;
	_ =	strace $0x90000046  }
0xb1: {  	s29 =	simm.s32 $0x9;
	_ =	strace $0x80000048  }
0xb2: {  	_ =	swait.ge [sflag:s29], $0x1  }
0xb3: {  	[sflag:s29] =	ssyncadd.s32 $0xFFFFFFFF  }
0xb4: {  	_ =	strace $0x90000048  }
0xb5: {  	_ =	sfence  }
0xb6: {  	s30 =	sld [smem:$0x0];
	_ =	sdelay $0x2  }
0xb7: {  	s31 =	sshll.u32 s1, $0xD;
	s1 =	sshrl.u32 s1, $0x2  }
0xb8: {  	s3 =	sand.u32 $0x4000, s31;
	s1 =	sadd.s32 s1, s30  }
0xb9: {  	s0 =	sor.u32 s3, s0;
	s1 =	sshll.u32 s1, $0x11  }
0xba: {  	s0 =	sor.u32 s1, s0  }
0xbb: {  	s0 =	sadd.s32 $0x8F2B, s0  }
0xbc: {  	[sflag:s0] =	ssyncadd.remote.s32 $0x1  }
0xbd: {  	_ =	sfence.sel $0xFFFF  }
0xbe: {  	[dreg:$0x0] =	wrdreg $0xFFFFFFFF;
	(pc) =	sbr.abs _section_cstart, $3  }
0xbf: {  	[dreg:$0x1] =	wrdreg $0xFFFFFFFF  }
0xc0: {  	_ =	task.clear_ibuf [dreg:s6], $0x2FFFF;
	_ =	strace $0x9FFFFFFF  }
0xc1: {  	(tm) =	ssettm $0x7FFFFFFF  }
tec
execute0_lowered:
.L_overlay_start_1:
0x0: {  	(tag) =	ssettag $0x1  }
0x1: {  	s0 =	rddreg [dreg:$0x0]  }
0x2: {  	s3 =	simm.s32 $0x0;
	s1 =	srdreg.scid;
	s2 =	stileid.u32  }
0x3: {  	s8 =	simm.s32 $0x2;
	s9 =	simm.s32 $0x80;
	s10 =	simm.s32 $0x500  }
0x4: {  	s11 =	simm.s32 $0x2500;
	s12 =	simm.s32 $0x100;
	s13 =	simm.s32 $0x4500  }
0x5: {  	s14 =	simm.s32 $0x180;
	s15 =	simm.s32 $0x6500;
	s16 =	simm.s32 $0x200  }
0x6: {  	s17 =	simm.s32 $0x8500;
	s18 =	simm.s32 $0x280;
	s19 =	simm.s32 $0xA500  }
0x7: {  	s20 =	simm.s32 $0x300;
	s21 =	simm.s32 $0xC500;
	s22 =	simm.s32 $0x380  }
0x8: {  	s23 =	simm.s32 $0xE500;
	s24 =	simm.s32 $0x400;
	s25 =	simm.s32 $0x10500  }
0x9: {  	s28 =	simm.s32 $0x12500;
	s29 =	simm.s32 $0x1;
	s30 =	simm.s32 $0x14500  }
0xa: {  	[smem:$0x7FF] =	sst s3;
	s1 =	sand.u32 $0x1, s1;
	s2 =	sshll.u32 s2, $0x1  }
0xb: {  	s3 =	sadd.s32 $0x7C1000, s0;
	s2 =	sor.u32 s1, s2;
	s1 =	ssub.s32 $0x2, s1  }
0xc: {  	s4 =	sadd.s32 $0x1000, s0;
	s5 =	sshll.u32 s2, $0xC;
	s26 =	sshrl.u32 s1, $0x1  }
0xd: {  	_ =	strace $0x80000047;
	s0 =	sadd.s32 s5, s0;
	s1 =	ssub.s32 s1, s26  }
0xe: {  	s5 =	sshll.u32 s2, $0x3;
	s26 =	simm.s32 $0x480;
	s31 =	smax.u32 s1, $0x1  }
0xf: {  	s6 =	sadd.s32 $0x7CB000, s0;
	s1 =	simm.s32 $0x0;
	[dreg:$0x2] =	wrdreg s31  }
.LBB2_1:
0x10: {  	[dreg:$0x3] =	wrdreg s1;
	s0 =	simm.s32 $0x0  }
.LBB2_2:
0x11: {  	s1 =	sadd.s32 s5, s0  }
0x12: {  	s1 =	smul.u32 $0xA0, s1;
	_ =	sdelay $0x1  }
0x13: {  	s2 =	simm.s32 $0x0;
	s1 =	sadd.s32 s3, s1  }
0x14: {  	[tilespmem:s2], [sflag:$0x2] =	stream.linear.gather [hbm4b:s1+s2], $0x500, $0x38;
	[tilespmem:$0x15500] =	vst v63  }
0x15: {  	_ =	swait.ge [sflag:s8], $0x500  }
0x16: {  	[sflag:s8] =	ssyncset.done $0x0  }
0x17: {  	[sflag:s8] =	ssyncadd.s32 $0xFFFFFB00  }
0x18: {  	[tilespmem:s10], [sflag:$0x1] =	stream.indirect.gather [hbm4b:s4+s9], $0x40, s2, s9, $0xb8;
	[tilespmem:$0x15500] =	vst v63  }
0x19: {  	_ = 	snop  }
0x1a: {  	[tilespmem:s11], [sflag:$0x1] =	stream.indirect.gather [hbm4b:s4+s9], $0x40, s9, s9, $0xb8;
	[tilespmem:$0x15500] =	vst v63  }
0x1b: {  	_ = 	snop  }
0x1c: {  	[tilespmem:s13], [sflag:$0x1] =	stream.indirect.gather [hbm4b:s4+s9], $0x40, s12, s9, $0xb8;
	[tilespmem:$0x15500] =	vst v63  }
0x1d: {  	_ = 	snop  }
0x1e: {  	[tilespmem:s15], [sflag:$0x1] =	stream.indirect.gather [hbm4b:s4+s9], $0x40, s14, s9, $0xb8;
	[tilespmem:$0x15500] =	vst v63  }
0x1f: {  	_ = 	snop  }
0x20: {  	[tilespmem:s17], [sflag:$0x1] =	stream.indirect.gather [hbm4b:s4+s9], $0x40, s16, s9, $0xb8;
	[tilespmem:$0x15500] =	vst v63  }
0x21: {  	_ = 	snop  }
0x22: {  	[tilespmem:s19], [sflag:$0x1] =	stream.indirect.gather [hbm4b:s4+s9], $0x40, s18, s9, $0xb8;
	[tilespmem:$0x15500] =	vst v63  }
0x23: {  	_ = 	snop  }
0x24: {  	[tilespmem:s21], [sflag:$0x1] =	stream.indirect.gather [hbm4b:s4+s9], $0x40, s20, s9, $0xb8;
	[tilespmem:$0x15500] =	vst v63  }
0x25: {  	_ = 	snop  }
0x26: {  	[tilespmem:s23], [sflag:$0x1] =	stream.indirect.gather [hbm4b:s4+s9], $0x40, s22, s9, $0xb8;
	[tilespmem:$0x15500] =	vst v63  }
0x27: {  	_ = 	snop  }
0x28: {  	[tilespmem:s25], [sflag:$0x1] =	stream.indirect.gather [hbm4b:s4+s9], $0x40, s24, s9, $0xb8;
	[tilespmem:$0x15500] =	vst v63  }
0x29: {  	_ = 	snop  }
0x2a: {  	[tilespmem:s28], [sflag:$0x1] =	stream.indirect.gather [hbm4b:s4+s9], $0x40, s26, s9, $0xb8;
	[tilespmem:$0x15500] =	vst v63  }
0x2b: {  	_ =	swait.ge [sflag:s29], $0x2000  }
0x2c: {  	[sflag:s29] =	ssyncset.done $0x0  }
0x2d: {  	[sflag:s29] =	ssyncadd.s32 $0xFFFFE000  }
0x2e: {  	_ =	swait.ge [sflag:s29], $0x2000  }
0x2f: {  	[sflag:s29] =	ssyncset.done $0x0  }
0x30: {  	[sflag:s29] =	ssyncadd.s32 $0xFFFFE000  }
0x31: {  	_ =	swait.ge [sflag:s29], $0x2000  }
0x32: {  	[sflag:s29] =	ssyncset.done $0x0  }
0x33: {  	[sflag:s29] =	ssyncadd.s32 $0xFFFFE000  }
0x34: {  	_ =	swait.ge [sflag:s29], $0x2000  }
0x35: {  	[sflag:s29] =	ssyncset.done $0x0  }
0x36: {  	[sflag:s29] =	ssyncadd.s32 $0xFFFFE000  }
0x37: {  	_ =	swait.ge [sflag:s29], $0x2000  }
0x38: {  	[sflag:s29] =	ssyncset.done $0x0  }
0x39: {  	[sflag:s29] =	ssyncadd.s32 $0xFFFFE000  }
0x3a: {  	_ =	swait.ge [sflag:s29], $0x2000  }
0x3b: {  	[sflag:s29] =	ssyncset.done $0x0  }
0x3c: {  	[sflag:s29] =	ssyncadd.s32 $0xFFFFE000  }
0x3d: {  	_ =	swait.ge [sflag:s29], $0x2000  }
0x3e: {  	[sflag:s29] =	ssyncset.done $0x0  }
0x3f: {  	[sflag:s29] =	ssyncadd.s32 $0xFFFFE000  }
0x40: {  	_ =	swait.ge [sflag:s29], $0x2000  }
0x41: {  	[sflag:s29] =	ssyncset.done $0x0  }
0x42: {  	[sflag:s29] =	ssyncadd.s32 $0xFFFFE000  }
0x43: {  	_ =	swait.ge [sflag:s29], $0x2000  }
0x44: {  	[sflag:s29] =	ssyncset.done $0x0  }
0x45: {  	[sflag:s29] =	ssyncadd.s32 $0xFFFFE000  }
0x46: {  	_ =	swait.ge [sflag:s29], $0x2000  }
0x47: {  	[sflag:s29] =	ssyncset.done $0x0  }
0x48: {  	s1 =	simm.s32 $0x780;
	[sflag:s29] =	ssyncadd.s32 $0xFFFFE000  }
0x49: {  	v0 =	vld [tilespmem:s1+$0xFFFFFDC0]  }
0x4a: {  	v1 =	vld [tilespmem:s1+$0xFFFFFD80];
	_ =	sdelay $0x1  }
0x4b: {  	v2 =	vld [tilespmem:s1+$0xFFFFFE00];
	_ =	sdelay $0x1  }
0x4c: {  	v3 =	vld [tilespmem:s1+$0xFFFFFE40]  }
0x4d: {  	v0 =	vadd.f32 v0, v1  }
0x4e: {  	v1 =	vld [tilespmem:s1+$0xFFFFFE80]  }
0x4f: {  	v0 =	vadd.f32 v2, v0  }
0x50: {  	v2 =	vld [tilespmem:s1+$0xFFFFFEC0]  }
0x51: {  	v0 =	vadd.f32 v3, v0  }
0x52: {  	v3 =	vld [tilespmem:s1+$0xFFFFFF00]  }
0x53: {  	v0 =	vadd.f32 v1, v0  }
0x54: {  	v1 =	vld [tilespmem:s1+$0xFFFFFF40]  }
0x55: {  	v0 =	vadd.f32 v2, v0  }
0x56: {  	v2 =	vld [tilespmem:s1+$0xFFFFFF80]  }
0x57: {  	v0 =	vadd.f32 v3, v0  }
0x58: {  	v3 =	vld [tilespmem:s1+$0xFFFFFFC0]  }
0x59: {  	v0 =	vadd.f32 v1, v0  }
0x5a: {  	v1 =	vld [tilespmem:s1+$0x0]  }
0x5b: {  	v0 =	vadd.f32 v2, v0  }
0x5c: {  	v2 =	vld [tilespmem:s1+$0x40]  }
0x5d: {  	v0 =	vadd.f32 v3, v0  }
0x5e: {  	v3 =	vld [tilespmem:s1+$0x80]  }
0x5f: {  	v0 =	vadd.f32 v1, v0  }
0x60: {  	v1 =	vld [tilespmem:s1+$0xC0]  }
0x61: {  	v0 =	vadd.f32 v2, v0  }
0x62: {  	v2 =	vld [tilespmem:s1+$0x100]  }
0x63: {  	v0 =	vadd.f32 v3, v0  }
0x64: {  	v3 =	vld [tilespmem:s1+$0x140]  }
0x65: {  	v0 =	vadd.f32 v1, v0  }
0x66: {  	v1 =	vld [tilespmem:s1+$0x180]  }
0x67: {  	v0 =	vadd.f32 v2, v0  }
0x68: {  	v2 =	vld [tilespmem:s1+$0x1C0]  }
0x69: {  	v0 =	vadd.f32 v3, v0  }
0x6a: {  	v3 =	vld [tilespmem:s1+$0x200]  }
0x6b: {  	v0 =	vadd.f32 v1, v0  }
0x6c: {  	v1 =	vld [tilespmem:s1+$0x240]  }
0x6d: {  	v0 =	vadd.f32 v2, v0;
	_ =	sdelay $0x1  }
0x6e: {  	v0 =	vadd.f32 v3, v0;
	_ =	sdelay $0x1  }
0x6f: {  	v0 =	vadd.f32 v1, v0;
	_ =	sdelay $0x1  }
0x70: {  	v0 =	vmul.f32 $5.000000070e-02, v0  }
0x71: {  	s7 =	simm.s32 $0x0  }
0x72: {  	[tilespmem:s7+$0x14500] =	vst v0  }
0x73: {  	v0 =	vld [tilespmem:s1+$0xFFFFFD90]  }
0x74: {  	v1 =	vld [tilespmem:s1+$0xFFFFFDD0];
	_ =	sdelay $0x1  }
0x75: {  	v2 =	vld [tilespmem:s1+$0xFFFFFE10];
	_ =	sdelay $0x1  }
0x76: {  	v3 =	vld [tilespmem:s1+$0xFFFFFE50]  }
0x77: {  	v0 =	vadd.f32 v1, v0  }
0x78: {  	v1 =	vld [tilespmem:s1+$0xFFFFFE90]  }
0x79: {  	v0 =	vadd.f32 v2, v0  }
0x7a: {  	v2 =	vld [tilespmem:s1+$0xFFFFFED0]  }
0x7b: {  	v0 =	vadd.f32 v3, v0  }
0x7c: {  	v3 =	vld [tilespmem:s1+$0xFFFFFF10]  }
0x7d: {  	v0 =	vadd.f32 v1, v0  }
0x7e: {  	v1 =	vld [tilespmem:s1+$0xFFFFFF50]  }
0x7f: {  	v0 =	vadd.f32 v2, v0  }
0x80: {  	v2 =	vld [tilespmem:s1+$0xFFFFFF90]  }
0x81: {  	v0 =	vadd.f32 v3, v0  }
0x82: {  	v3 =	vld [tilespmem:s1+$0xFFFFFFD0]  }
0x83: {  	v0 =	vadd.f32 v1, v0  }
0x84: {  	v1 =	vld [tilespmem:s1+$0x10]  }
0x85: {  	v0 =	vadd.f32 v2, v0  }
0x86: {  	v2 =	vld [tilespmem:s1+$0x50]  }
0x87: {  	v0 =	vadd.f32 v3, v0  }
0x88: {  	v3 =	vld [tilespmem:s1+$0x90]  }
0x89: {  	v0 =	vadd.f32 v1, v0  }
0x8a: {  	v1 =	vld [tilespmem:s1+$0xD0]  }
0x8b: {  	v0 =	vadd.f32 v2, v0  }
0x8c: {  	v2 =	vld [tilespmem:s1+$0x110]  }
0x8d: {  	v0 =	vadd.f32 v3, v0  }
0x8e: {  	v3 =	vld [tilespmem:s1+$0x150]  }
0x8f: {  	v0 =	vadd.f32 v1, v0  }
0x90: {  	v1 =	vld [tilespmem:s1+$0x190]  }
0x91: {  	v0 =	vadd.f32 v2, v0  }
0x92: {  	v2 =	vld [tilespmem:s1+$0x1D0]  }
0x93: {  	v0 =	vadd.f32 v3, v0  }
0x94: {  	v3 =	vld [tilespmem:s1+$0x210]  }
0x95: {  	v0 =	vadd.f32 v1, v0  }
0x96: {  	v1 =	vld [tilespmem:s1+$0x250]  }
0x97: {  	v0 =	vadd.f32 v2, v0;
	_ =	sdelay $0x1  }
0x98: {  	v0 =	vadd.f32 v3, v0;
	_ =	sdelay $0x1  }
0x99: {  	v0 =	vadd.f32 v1, v0;
	_ =	sdelay $0x1  }
0x9a: {  	v0 =	vmul.f32 $5.000000070e-02, v0;
	_ =	sdelay $0x1  }
0x9b: {  	[tilespmem:s7+$0x14510] =	vst v0  }
0x9c: {  	v0 =	vld [tilespmem:s1+$0xFFFFFDA0]  }
0x9d: {  	v1 =	vld [tilespmem:s1+$0xFFFFFDE0];
	_ =	sdelay $0x1  }
0x9e: {  	v2 =	vld [tilespmem:s1+$0xFFFFFE20];
	_ =	sdelay $0x1  }
0x9f: {  	v3 =	vld [tilespmem:s1+$0xFFFFFE60]  }
0xa0: {  	v0 =	vadd.f32 v1, v0  }
0xa1: {  	v1 =	vld [tilespmem:s1+$0xFFFFFEA0]  }
0xa2: {  	v0 =	vadd.f32 v2, v0  }
0xa3: {  	v2 =	vld [tilespmem:s1+$0xFFFFFEE0]  }
0xa4: {  	v0 =	vadd.f32 v3, v0  }
0xa5: {  	v3 =	vld [tilespmem:s1+$0xFFFFFF20]  }
0xa6: {  	v0 =	vadd.f32 v1, v0  }
0xa7: {  	v1 =	vld [tilespmem:s1+$0xFFFFFF60]  }
0xa8: {  	v0 =	vadd.f32 v2, v0  }
0xa9: {  	v2 =	vld [tilespmem:s1+$0xFFFFFFA0]  }
0xaa: {  	v0 =	vadd.f32 v3, v0  }
0xab: {  	v3 =	vld [tilespmem:s1+$0xFFFFFFE0]  }
0xac: {  	v0 =	vadd.f32 v1, v0  }
0xad: {  	v1 =	vld [tilespmem:s1+$0x20]  }
0xae: {  	v0 =	vadd.f32 v2, v0  }
0xaf: {  	v2 =	vld [tilespmem:s1+$0x60]  }
0xb0: {  	v0 =	vadd.f32 v3, v0  }
0xb1: {  	v3 =	vld [tilespmem:s1+$0xA0]  }
0xb2: {  	v0 =	vadd.f32 v1, v0  }
0xb3: {  	v1 =	vld [tilespmem:s1+$0xE0]  }
0xb4: {  	v0 =	vadd.f32 v2, v0  }
0xb5: {  	v2 =	vld [tilespmem:s1+$0x120]  }
0xb6: {  	v0 =	vadd.f32 v3, v0  }
0xb7: {  	v3 =	vld [tilespmem:s1+$0x160]  }
0xb8: {  	v0 =	vadd.f32 v1, v0  }
0xb9: {  	v1 =	vld [tilespmem:s1+$0x1A0]  }
0xba: {  	v0 =	vadd.f32 v2, v0  }
0xbb: {  	v2 =	vld [tilespmem:s1+$0x1E0]  }
0xbc: {  	v0 =	vadd.f32 v3, v0  }
0xbd: {  	v3 =	vld [tilespmem:s1+$0x220]  }
0xbe: {  	v0 =	vadd.f32 v1, v0  }
0xbf: {  	v1 =	vld [tilespmem:s1+$0x260]  }
0xc0: {  	v0 =	vadd.f32 v2, v0;
	_ =	sdelay $0x1  }
0xc1: {  	v0 =	vadd.f32 v3, v0;
	_ =	sdelay $0x1  }
0xc2: {  	v0 =	vadd.f32 v1, v0;
	_ =	sdelay $0x1  }
0xc3: {  	v0 =	vmul.f32 $5.000000070e-02, v0;
	_ =	sdelay $0x1  }
0xc4: {  	[tilespmem:s7+$0x14520] =	vst v0  }
0xc5: {  	v0 =	vld [tilespmem:s1+$0xFFFFFDB0]  }
0xc6: {  	v1 =	vld [tilespmem:s1+$0xFFFFFDF0];
	_ =	sdelay $0x1  }
0xc7: {  	v2 =	vld [tilespmem:s1+$0xFFFFFE30];
	_ =	sdelay $0x1  }
0xc8: {  	v3 =	vld [tilespmem:s1+$0xFFFFFE70]  }
0xc9: {  	v0 =	vadd.f32 v1, v0  }
0xca: {  	v1 =	vld [tilespmem:s1+$0xFFFFFEB0]  }
0xcb: {  	v0 =	vadd.f32 v2, v0  }
0xcc: {  	v2 =	vld [tilespmem:s1+$0xFFFFFEF0]  }
0xcd: {  	v0 =	vadd.f32 v3, v0  }
0xce: {  	v3 =	vld [tilespmem:s1+$0xFFFFFF30]  }
0xcf: {  	v0 =	vadd.f32 v1, v0  }
0xd0: {  	v1 =	vld [tilespmem:s1+$0xFFFFFF70]  }
0xd1: {  	v0 =	vadd.f32 v2, v0  }
0xd2: {  	v2 =	vld [tilespmem:s1+$0xFFFFFFB0]  }
0xd3: {  	v0 =	vadd.f32 v3, v0  }
0xd4: {  	v3 =	vld [tilespmem:s1+$0xFFFFFFF0]  }
0xd5: {  	v0 =	vadd.f32 v1, v0  }
0xd6: {  	v1 =	vld [tilespmem:s1+$0x30]  }
0xd7: {  	v0 =	vadd.f32 v2, v0  }
0xd8: {  	v2 =	vld [tilespmem:s1+$0x70]  }
0xd9: {  	v0 =	vadd.f32 v3, v0  }
0xda: {  	v3 =	vld [tilespmem:s1+$0xB0]  }
0xdb: {  	v0 =	vadd.f32 v1, v0  }
0xdc: {  	v1 =	vld [tilespmem:s1+$0xF0]  }
0xdd: {  	v0 =	vadd.f32 v2, v0  }
0xde: {  	v2 =	vld [tilespmem:s1+$0x130]  }
0xdf: {  	v0 =	vadd.f32 v3, v0  }
0xe0: {  	v3 =	vld [tilespmem:s1+$0x170]  }
0xe1: {  	v0 =	vadd.f32 v1, v0  }
0xe2: {  	v1 =	vld [tilespmem:s1+$0x1B0]  }
0xe3: {  	v0 =	vadd.f32 v2, v0  }
0xe4: {  	v2 =	vld [tilespmem:s1+$0x1F0]  }
0xe5: {  	v0 =	vadd.f32 v3, v0;
	_ =	sdelay $0x1  }
0xe6: {  	v3 =	vld [tilespmem:s1+$0x230];
	v0 =	vadd.f32 v1, v0;
	_ =	sdelay $0x1  }
0xe7: {  	v1 =	vadd.f32 v2, v0;
	v0 =	vld [tilespmem:s1+$0x270];
	_ =	sdelay $0x2  }
0xe8: {  	s31 =	simm.s32 $0x100;
	v1 =	vadd.f32 v3, v1  }
.LBB2_3:
0xe9: {  	p0 =	sne.s32 s31, $0x3F00  }
0xea: {  	s1 =	sadd.s32 $0x500, s1;
	s2 =	smov.u32 s31;
	s31 =	sadd.s32 $0x100, s31;
	v0 =	vadd.f32 v0, v1  }
0xeb: {  	_ = 	snop  }
0xec: {  	v0 =	vmul.f32 $5.000000070e-02, v0;
	_ =	sdelay $0x1  }
0xed: {  	[tilespmem:s7+$0x14530] =	vst v0  }
0xee: {  	v0 =	vld [tilespmem:s1+$0xFFFFFDC0]  }
0xef: {  	v1 =	vld [tilespmem:s1+$0xFFFFFD80];
	_ =	sdelay $0x1  }
0xf0: {  	v2 =	vld [tilespmem:s1+$0xFFFFFE00];
	_ =	sdelay $0x1  }
0xf1: {  	v3 =	vld [tilespmem:s1+$0xFFFFFE40]  }
0xf2: {  	v0 =	vadd.f32 v0, v1  }
0xf3: {  	v1 =	vld [tilespmem:s1+$0xFFFFFE80]  }
0xf4: {  	v0 =	vadd.f32 v2, v0  }
0xf5: {  	v2 =	vld [tilespmem:s1+$0xFFFFFEC0]  }
0xf6: {  	v0 =	vadd.f32 v3, v0  }
0xf7: {  	v3 =	vld [tilespmem:s1+$0xFFFFFF00]  }
0xf8: {  	v0 =	vadd.f32 v1, v0  }
0xf9: {  	v1 =	vld [tilespmem:s1+$0xFFFFFF40]  }
0xfa: {  	v0 =	vadd.f32 v2, v0  }
0xfb: {  	v2 =	vld [tilespmem:s1+$0xFFFFFF80]  }
0xfc: {  	v0 =	vadd.f32 v3, v0  }
0xfd: {  	v3 =	vld [tilespmem:s1+$0xFFFFFFC0]  }
0xfe: {  	v0 =	vadd.f32 v1, v0  }
0xff: {  	v1 =	vld [tilespmem:s1+$0x0]  }
0x100: {  	v0 =	vadd.f32 v2, v0  }
0x101: {  	v2 =	vld [tilespmem:s1+$0x40]  }
0x102: {  	v0 =	vadd.f32 v3, v0  }
0x103: {  	v3 =	vld [tilespmem:s1+$0x80]  }
0x104: {  	v0 =	vadd.f32 v1, v0  }
0x105: {  	v1 =	vld [tilespmem:s1+$0xC0]  }
0x106: {  	v0 =	vadd.f32 v2, v0  }
0x107: {  	v2 =	vld [tilespmem:s1+$0x100]  }
0x108: {  	v0 =	vadd.f32 v3, v0  }
0x109: {  	v3 =	vld [tilespmem:s1+$0x140]  }
0x10a: {  	v0 =	vadd.f32 v1, v0  }
0x10b: {  	v1 =	vld [tilespmem:s1+$0x180]  }
0x10c: {  	v0 =	vadd.f32 v2, v0  }
0x10d: {  	v2 =	vld [tilespmem:s1+$0x1C0]  }
0x10e: {  	v0 =	vadd.f32 v3, v0  }
0x10f: {  	v3 =	vld [tilespmem:s1+$0x200]  }
0x110: {  	v0 =	vadd.f32 v1, v0  }
0x111: {  	v1 =	vld [tilespmem:s1+$0x240]  }
0x112: {  	v0 =	vadd.f32 v2, v0;
	_ =	sdelay $0x1  }
0x113: {  	v0 =	vadd.f32 v3, v0;
	_ =	sdelay $0x1  }
0x114: {  	v0 =	vadd.f32 v1, v0;
	_ =	sdelay $0x1  }
0x115: {  	v0 =	vmul.f32 $5.000000070e-02, v0  }
0x116: {  	s7 =	sshra.s32 s2, $0x2  }
0x117: {  	[tilespmem:s7+$0x14500] =	vst v0  }
0x118: {  	v0 =	vld [tilespmem:s1+$0xFFFFFD90]  }
0x119: {  	v1 =	vld [tilespmem:s1+$0xFFFFFDD0];
	_ =	sdelay $0x1  }
0x11a: {  	v2 =	vld [tilespmem:s1+$0xFFFFFE10];
	_ =	sdelay $0x1  }
0x11b: {  	v3 =	vld [tilespmem:s1+$0xFFFFFE50]  }
0x11c: {  	v0 =	vadd.f32 v1, v0  }
0x11d: {  	v1 =	vld [tilespmem:s1+$0xFFFFFE90]  }
0x11e: {  	v0 =	vadd.f32 v2, v0  }
0x11f: {  	v2 =	vld [tilespmem:s1+$0xFFFFFED0]  }
0x120: {  	v0 =	vadd.f32 v3, v0  }
0x121: {  	v3 =	vld [tilespmem:s1+$0xFFFFFF10]  }
0x122: {  	v0 =	vadd.f32 v1, v0  }
0x123: {  	v1 =	vld [tilespmem:s1+$0xFFFFFF50]  }
0x124: {  	v0 =	vadd.f32 v2, v0  }
0x125: {  	v2 =	vld [tilespmem:s1+$0xFFFFFF90]  }
0x126: {  	v0 =	vadd.f32 v3, v0  }
0x127: {  	v3 =	vld [tilespmem:s1+$0xFFFFFFD0]  }
0x128: {  	v0 =	vadd.f32 v1, v0  }
0x129: {  	v1 =	vld [tilespmem:s1+$0x10]  }
0x12a: {  	v0 =	vadd.f32 v2, v0  }
0x12b: {  	v2 =	vld [tilespmem:s1+$0x50]  }
0x12c: {  	v0 =	vadd.f32 v3, v0  }
0x12d: {  	v3 =	vld [tilespmem:s1+$0x90]  }
0x12e: {  	v0 =	vadd.f32 v1, v0  }
0x12f: {  	v1 =	vld [tilespmem:s1+$0xD0]  }
0x130: {  	v0 =	vadd.f32 v2, v0  }
0x131: {  	v2 =	vld [tilespmem:s1+$0x110]  }
0x132: {  	v0 =	vadd.f32 v3, v0  }
0x133: {  	v3 =	vld [tilespmem:s1+$0x150]  }
0x134: {  	v0 =	vadd.f32 v1, v0  }
0x135: {  	v1 =	vld [tilespmem:s1+$0x190]  }
0x136: {  	v0 =	vadd.f32 v2, v0  }
0x137: {  	v2 =	vld [tilespmem:s1+$0x1D0]  }
0x138: {  	v0 =	vadd.f32 v3, v0  }
0x139: {  	v3 =	vld [tilespmem:s1+$0x210]  }
0x13a: {  	v0 =	vadd.f32 v1, v0  }
0x13b: {  	v1 =	vld [tilespmem:s1+$0x250]  }
0x13c: {  	v0 =	vadd.f32 v2, v0;
	_ =	sdelay $0x1  }
0x13d: {  	v0 =	vadd.f32 v3, v0;
	_ =	sdelay $0x1  }
0x13e: {  	v0 =	vadd.f32 v1, v0;
	_ =	sdelay $0x1  }
0x13f: {  	v0 =	vmul.f32 $5.000000070e-02, v0;
	_ =	sdelay $0x1  }
0x140: {  	[tilespmem:s7+$0x14510] =	vst v0  }
0x141: {  	v0 =	vld [tilespmem:s1+$0xFFFFFDA0]  }
0x142: {  	v1 =	vld [tilespmem:s1+$0xFFFFFDE0];
	_ =	sdelay $0x1  }
0x143: {  	v2 =	vld [tilespmem:s1+$0xFFFFFE20];
	_ =	sdelay $0x1  }
0x144: {  	v3 =	vld [tilespmem:s1+$0xFFFFFE60]  }
0x145: {  	v0 =	vadd.f32 v1, v0  }
0x146: {  	v1 =	vld [tilespmem:s1+$0xFFFFFEA0]  }
0x147: {  	v0 =	vadd.f32 v2, v0  }
0x148: {  	v2 =	vld [tilespmem:s1+$0xFFFFFEE0]  }
0x149: {  	v0 =	vadd.f32 v3, v0  }
0x14a: {  	v3 =	vld [tilespmem:s1+$0xFFFFFF20]  }
0x14b: {  	v0 =	vadd.f32 v1, v0  }
0x14c: {  	v1 =	vld [tilespmem:s1+$0xFFFFFF60]  }
0x14d: {  	v0 =	vadd.f32 v2, v0  }
0x14e: {  	v2 =	vld [tilespmem:s1+$0xFFFFFFA0]  }
0x14f: {  	v0 =	vadd.f32 v3, v0  }
0x150: {  	v3 =	vld [tilespmem:s1+$0xFFFFFFE0]  }
0x151: {  	v0 =	vadd.f32 v1, v0  }
0x152: {  	v1 =	vld [tilespmem:s1+$0x20]  }
0x153: {  	v0 =	vadd.f32 v2, v0  }
0x154: {  	v2 =	vld [tilespmem:s1+$0x60]  }
0x155: {  	v0 =	vadd.f32 v3, v0  }
0x156: {  	v3 =	vld [tilespmem:s1+$0xA0]  }
0x157: {  	v0 =	vadd.f32 v1, v0  }
0x158: {  	v1 =	vld [tilespmem:s1+$0xE0]  }
0x159: {  	v0 =	vadd.f32 v2, v0  }
0x15a: {  	v2 =	vld [tilespmem:s1+$0x120]  }
0x15b: {  	v0 =	vadd.f32 v3, v0  }
0x15c: {  	v3 =	vld [tilespmem:s1+$0x160]  }
0x15d: {  	v0 =	vadd.f32 v1, v0  }
0x15e: {  	v1 =	vld [tilespmem:s1+$0x1A0]  }
0x15f: {  	v0 =	vadd.f32 v2, v0  }
0x160: {  	v2 =	vld [tilespmem:s1+$0x1E0]  }
0x161: {  	v0 =	vadd.f32 v3, v0  }
0x162: {  	v3 =	vld [tilespmem:s1+$0x220]  }
0x163: {  	v0 =	vadd.f32 v1, v0  }
0x164: {  	v1 =	vld [tilespmem:s1+$0x260]  }
0x165: {  	v0 =	vadd.f32 v2, v0;
	_ =	sdelay $0x1  }
0x166: {  	v0 =	vadd.f32 v3, v0;
	_ =	sdelay $0x1  }
0x167: {  	v0 =	vadd.f32 v1, v0;
	_ =	sdelay $0x1  }
0x168: {  	v0 =	vmul.f32 $5.000000070e-02, v0;
	_ =	sdelay $0x1  }
0x169: {  	[tilespmem:s7+$0x14520] =	vst v0  }
0x16a: {  	v0 =	vld [tilespmem:s1+$0xFFFFFDB0]  }
0x16b: {  	v1 =	vld [tilespmem:s1+$0xFFFFFDF0]  }
0x16c: {  	v2 =	vld [tilespmem:s1+$0xFFFFFE30]  }
0x16d: {  	v3 =	vld [tilespmem:s1+$0xFFFFFE70]  }
0x16e: {  	v4 =	vld [tilespmem:s1+$0xFFFFFEB0]  }
0x16f: {  	v5 =	vld [tilespmem:s1+$0xFFFFFEF0]  }
0x170: {  	v0 =	vadd.f32 v1, v0;
	v1 =	vld [tilespmem:s1+$0xFFFFFF30]  }
0x171: {  	v6 =	vld [tilespmem:s1+$0xFFFFFF70]  }
0x172: {  	v0 =	vadd.f32 v2, v0;
	v2 =	vld [tilespmem:s1+$0xFFFFFFB0]  }
0x173: {  	v7 =	vld [tilespmem:s1+$0xFFFFFFF0]  }
0x174: {  	v0 =	vadd.f32 v3, v0;
	v3 =	vld [tilespmem:s1+$0x30]  }
0x175: {  	v8 =	vld [tilespmem:s1+$0x70]  }
0x176: {  	v0 =	vadd.f32 v4, v0;
	v4 =	vld [tilespmem:s1+$0xB0]  }
0x177: {  	v9 =	vld [tilespmem:s1+$0xF0]  }
0x178: {  	v0 =	vadd.f32 v5, v0;
	v5 =	vld [tilespmem:s1+$0x130]  }
0x179: {  	v10 =	vld [tilespmem:s1+$0x170]  }
0x17a: {  	v0 =	vadd.f32 v1, v0;
	v1 =	vld [tilespmem:s1+$0x1B0]  }
0x17b: {  	v11 =	vld [tilespmem:s1+$0x1F0]  }
0x17c: {  	v6 =	vadd.f32 v6, v0;
	v12 =	vld [tilespmem:s1+$0x230]  }
0x17d: {  	v0 =	vld [tilespmem:s1+$0x270]  }
0x17e: {  	v2 =	vadd.f32 v2, v6;
	_ =	sdelay $0x1  }
0x17f: {  	v2 =	vadd.f32 v7, v2;
	_ =	sdelay $0x1  }
0x180: {  	v2 =	vadd.f32 v3, v2;
	_ =	sdelay $0x1  }
0x181: {  	v2 =	vadd.f32 v8, v2;
	_ =	sdelay $0x1  }
0x182: {  	v2 =	vadd.f32 v4, v2;
	_ =	sdelay $0x1  }
0x183: {  	v2 =	vadd.f32 v9, v2;
	_ =	sdelay $0x1  }
0x184: {  	v2 =	vadd.f32 v5, v2;
	_ =	sdelay $0x1  }
0x185: {  	v2 =	vadd.f32 v10, v2;
	_ =	sdelay $0x1  }
.Ltmp0:
0x186: {  	v1 =	vadd.f32 v1, v2;
	(pc) =	sbr.rel @p0 .LBB2_3-.Ltmp0, $3  }
0x187: {  	_ = 	snop  }
0x188: {  	v1 =	vadd.f32 v11, v1;
	_ =	sdelay $0x1  }
0x189: {  	v1 =	vadd.f32 v12, v1  }
0x18a: {  	_ = 	snop  }
0x18b: {  	v0 =	vadd.f32 v0, v1;
	_ =	sdelay $0x1  }
0x18c: {  	s1 =	sshll.u32 s0, $0x9;
	s0 =	sadd.s32 $0x1, s0;
	v0 =	vmul.f32 $5.000000070e-02, v0  }
0x18d: {  	p0 =	sne.s32 s0, $0x8  }
.Ltmp1:
0x18e: {  	s2 =	simm.s32 $0x0;
	s1 =	sadd.s32 s1, s6;
	[tilespmem:s7+$0x14530] =	vst v0;
	(pc) =	sbr.rel @p0 .LBB2_2-.Ltmp1, $4  }
0x18f: {  	[hbm4b:s1+s2] =	stream.linear.scatter [tilespmem:s30], [sflag:$0x2], $0x1000, $0x38;
	[tilespmem:$0x15500] =	vst v63  }
0x190: {  	_ =	swait.ge [sflag:s8], $0x1000  }
0x191: {  	[sflag:s8] =	ssyncset.done $0x0  }
0x192: {  	[sflag:s8] =	ssyncadd.s32 $0xFFFFF000  }
0x193: {  	s1 =	rddreg [dreg:$0x3]  }
0x194: {  	s0 =	rddreg [dreg:$0x2];
	s1 =	sadd.s32 $0x1, s1  }
0x195: {  	p0 =	sne.s32 s1, s0  }
.Ltmp2:
0x196: {  	_ = 	snop;
	(pc) =	sbr.rel @p0 .LBB2_1-.Ltmp2, $1  }
0x197: {  	_ =	sdelay $0x3  }
0x198: {  	_ =	sfence.sel $0x180000  }
0x199: {  	[bflag:$0x0] =	sbarrier.arrive $0xFFFF  }
0x19a: {  	_ =	strace $0x90000047  }
0x19b: {  	s0 =	stileid.u32;
	[bflag:$0x2] =	sbarrier.arrive $0xFFFF  }
0x19c: {  	p0 =	sne.s32 s0, $0x0;
	s0 =	rddreg [dreg:$0x1]  }
0x19d: {  	s0 =	sadd.s32 @!p0 $0x100000, s0  }
0x19e: {  	[sflag:s0] =	ssyncadd.tile.s32 @!p0 $0x1;
	_ =	shalt  }
.Lfunc_end2:
_tile_overlayer_lowered:
.L_overlay_start_2:
0x19f: {  	(tag) =	ssettag $0x2  }
0x1a0: {  	s0 =	rddreg [dreg:$0x0];
	s2 =	stileid.u32  }
0x1a1: {  	s1 =	rddreg [dreg:$0x1];
	p0 =	sne.s32 s2, $0x0  }
0x1a2: {  	s3 =	rddreg [dreg:$0x2];
	[bflag:$0x3] =	sbarrier.arrive $0xFFFF;
	s2 =	simm.s32 @!p0 $0x1C02  }
0x1a3: {  	[timem:s3], [sflag:s2] =	dma.local @!p0 [hbm:s0], s1  }
0x1a4: {  	s0 =	simm.s32 @!p0 $0x2  }
0x1a5: {  	_ =	swait.ge @!p0 [sflag:s0], s1  }
0x1a6: {  	s1 =	ssub.s32 @!p0 $0x0, s1;
	[sflag:s0] =	ssyncset.done @!p0 $0x0  }
0x1a7: {  	[sflag:s0] =	ssyncadd.s32 @!p0 s1  }
0x1a8: {  	[bflag:$0x3] =	sbarrier.arrive $0xFFFF  }
0x1a9: {  	_ =	shalt  }

</sc_bundles>
